<compile_context>
chip_gen: v7x
topology: tpu7x:2x2x1
jax: 0.10.2.dev20260603
libtpu: 0.0.44.dev20260713+nightly
codegen_flags: <defaults>
</compile_context>

<pallas_src>
import functools

import jax
import jax.numpy as jnp
from jax import lax
from jax.experimental import pallas as pl
from jax.experimental.pallas import tpu as pltpu
from jax.experimental.pallas import tpu_sc as plsc

B = 16384
D = 64
L = 16
NC = 2
NS = 16
NW = NC * NS
BPW = B // NW

_mesh = plsc.VectorSubcoreMesh(core_axis_name="c", subcore_axis_name="s")


@functools.partial(
    pl.kernel,
    mesh=_mesh,
    out_type=jax.ShapeDtypeStruct((B,), jnp.float32),
    scratch_types=[
        pltpu.VMEM((BPW,), jnp.int32),
        pltpu.VMEM((BPW,), jnp.int32),
        pltpu.VMEM((BPW, D), jnp.float32),
        pltpu.VMEM((BPW, D), jnp.float32),
        pltpu.VMEM((L, L), jnp.float32),
        pltpu.VMEM((BPW,), jnp.float32),
        pltpu.VMEM((L,), jnp.float32),
        pltpu.SemaphoreType.DMA,
        pltpu.SemaphoreType.DMA,
    ],
    compiler_params=pltpu.CompilerParams(needs_layout_passes=False,
                                         use_tc_tiling_on_sc=False),
)
def _mf_forward(uidx_hbm, nidx_hbm, uf_hbm, nf_hbm, gi_hbm, out_hbm,
                uidx_v, nidx_v, urows, nrows, pscr, out_v, gi_v,
                sem_u, sem_n):
    wid = lax.axis_index("s") * NC + lax.axis_index("c")
    base = wid * BPW

    pltpu.sync_copy(uidx_hbm.at[pl.ds(base, BPW)], uidx_v)
    pltpu.sync_copy(nidx_hbm.at[pl.ds(base, BPW)], nidx_v)
    pltpu.sync_copy(gi_hbm, gi_v)

    cp_u = pltpu.async_copy(uf_hbm.at[uidx_v], urows, sem_u)
    cp_n = pltpu.async_copy(nf_hbm.at[nidx_v], nrows, sem_n)
    cp_u.wait()
    cp_n.wait()

    gvec = gi_v[...]
    lane = lax.iota(jnp.int32, L)

    def group(g, _):
        for i in range(L):
            r = g * L + i
            acc = urows[r, pl.ds(0, L)] * nrows[r, pl.ds(0, L)]
            for k in range(1, D // L):
                acc = acc + urows[r, pl.ds(k * L, L)] * nrows[r, pl.ds(k * L, L)]
            pscr[i, :] = acc
        o = gvec
        for c in range(L):
            o = o + plsc.load_gather(pscr, [lane, jnp.full((L,), c, jnp.int32)])
        out_v[pl.ds(g * L, L)] = o
        return 0

    lax.fori_loop(0, BPW // L, group, 0)
    pltpu.sync_copy(out_v, out_hbm.at[pl.ds(base, BPW)])


def kernel(user_idxs, note_idxs, user_factors, note_factors, global_intercept):
    gi16 = jnp.broadcast_to(jnp.reshape(global_intercept, (1,)), (L,))
    return _mf_forward(user_idxs.astype(jnp.int32), note_idxs.astype(jnp.int32),
                       user_factors, note_factors, gi16)

# --- scband reference (transcript-rebuilt; emitter-appended) ---
"""Pipeline reference for scband-matrix-factorization-model-1580547975064 (READ-ONLY COPY).

The authoritative reference and input builder live on the scoring server;
editing this copy changes nothing except your own understanding.
"""

import jax, jax.numpy as jnp
import numpy as np

N_USERS = 100000
N_NOTES = 100000
N_COMPONENTS = 64
BATCH = 16384

def _xavier_uniform(key, shape):
    fan_in, fan_out = shape[0], shape[1]
    bound = float(np.sqrt(6.0 / (fan_in + fan_out)))
    return jax.random.uniform(key, shape, dtype=jnp.float32, minval=-bound, maxval=bound)

def setup_inputs(seed: int = 0) -> dict:
    key = jax.random.key(seed)
    k1, k2, k3, k4 = jax.random.split(key, 4)
    user_idxs = jax.random.randint(k1, (BATCH,), 0, N_USERS, dtype=jnp.int64) if jax.config.jax_enable_x64 else jax.random.randint(k1, (BATCH,), 0, N_USERS).astype(jnp.int32)
    note_idxs = jax.random.randint(k2, (BATCH,), 0, N_NOTES).astype(user_idxs.dtype)
    user_factors = _xavier_uniform(k3, (N_USERS, N_COMPONENTS))
    note_factors = _xavier_uniform(k4, (N_NOTES, N_COMPONENTS))
    global_intercept = jnp.zeros((1, 1), dtype=jnp.float32)
    return {
        "user_idxs": user_idxs,
        "note_idxs": note_idxs,
        "user_factors": user_factors,
        "note_factors": note_factors,
        "global_intercept": global_intercept,
    }

def reference(user_idxs, note_idxs, user_factors, note_factors, global_intercept):
    # Faithful translation of MatrixFactorizationModel.forward with use_subconfounder=False
    u = jnp.take(user_factors, user_idxs, axis=0)   # (B, d) embedding gather
    n = jnp.take(note_factors, note_idxs, axis=0)   # (B, d) embedding gather
    treatment_effect = jnp.sum(u * n, axis=1, keepdims=True)  # (B, 1)
    pred = treatment_effect + global_intercept               # broadcast (1,1)
    return jnp.squeeze(pred)

if False:  # reference __main__ guard neutralized (emitter)
    inp = setup_inputs()
    out = reference(**inp)
    print(out.shape, out.dtype)

if __name__ == "__main__":
    import jax
    _d = setup_inputs()
    print(jax.jit(kernel)(*tuple(_d.values())))

</pallas_src>

<mosaic_0001>
#map = affine_map<(d0, d1) -> (0)>
#map1 = affine_map<(d0, d1) -> (0, 0)>
module attributes {stable_mosaic.version = 14 : i64} {
  func.func @_mf_forward(%arg0: i32, %arg1: i32, %arg2: memref<16384xi32, #tpu.memory_space<hbm>>, %arg3: memref<16384xi32, #tpu.memory_space<hbm>>, %arg4: memref<100000x64xf32, #tpu.memory_space<hbm>>, %arg5: memref<100000x64xf32, #tpu.memory_space<hbm>>, %arg6: memref<16xf32, #tpu.memory_space<hbm>>, %arg7: memref<16384xf32, #tpu.memory_space<hbm>>, %arg8: memref<512xi32, #tpu.memory_space<vmem>>, %arg9: memref<512xi32, #tpu.memory_space<vmem>>, %arg10: memref<512x64xf32, #tpu.memory_space<vmem>>, %arg11: memref<512x64xf32, #tpu.memory_space<vmem>>, %arg12: memref<16x16xf32, #tpu.memory_space<vmem>>, %arg13: memref<512xf32, #tpu.memory_space<vmem>>, %arg14: memref<16xf32, #tpu.memory_space<vmem>>, %arg15: memref<!tpu.dma_semaphore, #tpu.memory_space<semaphore_mem>>, %arg16: memref<!tpu.dma_semaphore, #tpu.memory_space<semaphore_mem>>) attributes {dimension_semantics = [#tpu.dimension_semantics<core_parallel>, #tpu.dimension_semantics<subcore_parallel>], iteration_bounds = array<i64: 2, 16>, scalar_prefetch = 0 : i64, scratch_operands = 9 : i64, tpu.core_type = #tpu.core_type<sc_vector_subcore>, window_params = [{transform_indices = #map}, {transform_indices = #map}, {transform_indices = #map1}, {transform_indices = #map1}, {transform_indices = #map}, {transform_indices = #map}]} {
    %mul3A = arith.constant 2 : i32
    %mul3A_0 = arith.muli %arg1, %mul3A : i32
    %add3A = arith.addi %mul3A_0, %arg0 : i32
    %mul3A_1 = arith.constant 512 : i32
    %mul3A_2 = arith.muli %add3A, %mul3A_1 : i32
    "tpu.region"() ({
      %run_scoped3A = tpu.sem_alloc : memref<!tpu.dma_semaphore, #tpu.memory_space<semaphore_mem>>
      %dma_start3A_20 = tpu.memref_slice %arg2[%mul3A_2] : memref<16384xi32, #tpu.memory_space<hbm>> -> memref<512xi32, #tpu.memory_space<hbm>>
      %dma_start3A_21 = tpu.memref_slice %arg2[%mul3A_2] : memref<16384xi32, #tpu.memory_space<hbm>> -> memref<512xi32, #tpu.memory_space<hbm>>
      tpu.enqueue_dma source(%dma_start3A_21 : memref<512xi32, #tpu.memory_space<hbm>>) target(%arg8 : memref<512xi32, #tpu.memory_space<vmem>>) target_semaphore(%run_scoped3A : memref<!tpu.dma_semaphore, #tpu.memory_space<semaphore_mem>>)
      %dma_wait3A_22 = tpu.memref_slice %arg2[%mul3A_2] : memref<16384xi32, #tpu.memory_space<hbm>> -> memref<512xi32, #tpu.memory_space<hbm>>
      %dma_wait3A_23 = tpu.memref_slice %arg2[%mul3A_2] : memref<16384xi32, #tpu.memory_space<hbm>> -> memref<512xi32, #tpu.memory_space<hbm>>
      tpu.wait_dma2 semaphore(%run_scoped3A : memref<!tpu.dma_semaphore, #tpu.memory_space<semaphore_mem>>) src(%dma_wait3A_23 : memref<512xi32, #tpu.memory_space<hbm>>) dst(%arg8 : memref<512xi32, #tpu.memory_space<vmem>>)
      tpu.yield
    }) : () -> ()
    "tpu.region"() ({
      %run_scoped3A = tpu.sem_alloc : memref<!tpu.dma_semaphore, #tpu.memory_space<semaphore_mem>>
      %dma_start3A_20 = tpu.memref_slice %arg3[%mul3A_2] : memref<16384xi32, #tpu.memory_space<hbm>> -> memref<512xi32, #tpu.memory_space<hbm>>
      %dma_start3A_21 = tpu.memref_slice %arg3[%mul3A_2] : memref<16384xi32, #tpu.memory_space<hbm>> -> memref<512xi32, #tpu.memory_space<hbm>>
      tpu.enqueue_dma source(%dma_start3A_21 : memref<512xi32, #tpu.memory_space<hbm>>) target(%arg9 : memref<512xi32, #tpu.memory_space<vmem>>) target_semaphore(%run_scoped3A : memref<!tpu.dma_semaphore, #tpu.memory_space<semaphore_mem>>)
      %dma_wait3A_22 = tpu.memref_slice %arg3[%mul3A_2] : memref<16384xi32, #tpu.memory_space<hbm>> -> memref<512xi32, #tpu.memory_space<hbm>>
      %dma_wait3A_23 = tpu.memref_slice %arg3[%mul3A_2] : memref<16384xi32, #tpu.memory_space<hbm>> -> memref<512xi32, #tpu.memory_space<hbm>>
      tpu.wait_dma2 semaphore(%run_scoped3A : memref<!tpu.dma_semaphore, #tpu.memory_space<semaphore_mem>>) src(%dma_wait3A_23 : memref<512xi32, #tpu.memory_space<hbm>>) dst(%arg9 : memref<512xi32, #tpu.memory_space<vmem>>)
      tpu.yield
    }) : () -> ()
    "tpu.region"() ({
      %run_scoped3A = tpu.sem_alloc : memref<!tpu.dma_semaphore, #tpu.memory_space<semaphore_mem>>
      tpu.enqueue_dma source(%arg6 : memref<16xf32, #tpu.memory_space<hbm>>) target(%arg14 : memref<16xf32, #tpu.memory_space<vmem>>) target_semaphore(%run_scoped3A : memref<!tpu.dma_semaphore, #tpu.memory_space<semaphore_mem>>)
      tpu.wait_dma2 semaphore(%run_scoped3A : memref<!tpu.dma_semaphore, #tpu.memory_space<semaphore_mem>>) src(%arg6 : memref<16xf32, #tpu.memory_space<hbm>>) dst(%arg14 : memref<16xf32, #tpu.memory_space<vmem>>)
      tpu.yield
    }) : () -> ()
    %dma_start3A = arith.constant 0 : i32
    %dma_start3A_3 = arith.constant 0 : i32
    %dma_start3A_4 = tpu.memref_slice %arg4[%dma_start3A, %dma_start3A_3] : memref<100000x64xf32, #tpu.memory_space<hbm>> -> memref<100000x64xf32, #tpu.memory_space<hbm>>
    tpu.enqueue_indirect_dma source(%dma_start3A_4 : memref<100000x64xf32, #tpu.memory_space<hbm>>) target(%arg10 : memref<512x64xf32, #tpu.memory_space<vmem>>) offsets(%arg8 : memref<512xi32, #tpu.memory_space<vmem>>) semaphore(%arg15 : memref<!tpu.dma_semaphore, #tpu.memory_space<semaphore_mem>>)
    %dma_start3A_5 = arith.constant 0 : i32
    %dma_start3A_6 = arith.constant 0 : i32
    %dma_start3A_7 = tpu.memref_slice %arg5[%dma_start3A_5, %dma_start3A_6] : memref<100000x64xf32, #tpu.memory_space<hbm>> -> memref<100000x64xf32, #tpu.memory_space<hbm>>
    tpu.enqueue_indirect_dma source(%dma_start3A_7 : memref<100000x64xf32, #tpu.memory_space<hbm>>) target(%arg11 : memref<512x64xf32, #tpu.memory_space<vmem>>) offsets(%arg9 : memref<512xi32, #tpu.memory_space<vmem>>) semaphore(%arg16 : memref<!tpu.dma_semaphore, #tpu.memory_space<semaphore_mem>>)
    %dma_wait3A = arith.constant 0 : i32
    %dma_wait3A_8 = arith.constant 0 : i32
    %dma_wait3A_9 = tpu.memref_slice %arg4[%dma_wait3A, %dma_wait3A_8] : memref<100000x64xf32, #tpu.memory_space<hbm>> -> memref<100000x64xf32, #tpu.memory_space<hbm>>
    tpu.wait_indirect_dma semaphore(%arg15 : memref<!tpu.dma_semaphore, #tpu.memory_space<semaphore_mem>>) src(%dma_wait3A_9 : memref<100000x64xf32, #tpu.memory_space<hbm>>) dst(%arg10 : memref<512x64xf32, #tpu.memory_space<vmem>>)
    %dma_wait3A_10 = arith.constant 0 : i32
    %dma_wait3A_11 = arith.constant 0 : i32
    %dma_wait3A_12 = tpu.memref_slice %arg5[%dma_wait3A_10, %dma_wait3A_11] : memref<100000x64xf32, #tpu.memory_space<hbm>> -> memref<100000x64xf32, #tpu.memory_space<hbm>>
    tpu.wait_indirect_dma semaphore(%arg16 : memref<!tpu.dma_semaphore, #tpu.memory_space<semaphore_mem>>) src(%dma_wait3A_12 : memref<100000x64xf32, #tpu.memory_space<hbm>>) dst(%arg11 : memref<512x64xf32, #tpu.memory_space<vmem>>)
    %get3A = arith.constant 0 : index
    %get3A_13 = tpu.vector_load %arg14[%get3A] {strides = array<i32>} : memref<16xf32, #tpu.memory_space<vmem>>, vector<16xf32>,
    %iota3A = tpu.iota {dimensions = array<i32: 0>} : vector<16xi32>
    %scan3A = arith.constant 0 : i32
    %scan3A_14 = arith.constant 0 : i32
    %scan3A_15 = arith.constant 32 : i32
    %scan3A_16 = arith.addi %scan3A_14, %scan3A_15 : i32
    %scan3A_17 = arith.constant 1 : i32
    %scan3A_18 = scf.for %scan3A_20 = %scan3A_14 to %scan3A_16 step %scan3A_17 iter_args(%scan3A_21 = %scan3A) -> (i32)  : i32 {
      %mul3A_22 = arith.constant 16 : i32
      %mul3A_23 = arith.muli %scan3A_20, %mul3A_22 : i32
      %add3A_24 = arith.constant 0 : i32
      %add3A_25 = arith.addi %mul3A_23, %add3A_24 : i32
      %get3A_26 = arith.index_cast %add3A_25 : i32 to index
      %get3A_27 = arith.constant 0 : index
      %get3A_28 = tpu.vector_load %arg10[%get3A_26, %get3A_27] {strides = array<i32>} : memref<512x64xf32, #tpu.memory_space<vmem>>, vector<16xf32>,
      %get3A_29 = arith.index_cast %add3A_25 : i32 to index
      %get3A_30 = arith.constant 0 : index
      %get3A_31 = tpu.vector_load %arg11[%get3A_29, %get3A_30] {strides = array<i32>} : memref<512x64xf32, #tpu.memory_space<vmem>>, vector<16xf32>,
      %mul3A_32 = arith.mulf %get3A_28, %get3A_31 : vector<16xf32>
      %get3A_33 = arith.index_cast %add3A_25 : i32 to index
      %get3A_34 = arith.constant 16 : index
      %get3A_35 = tpu.vector_load %arg10[%get3A_33, %get3A_34] {strides = array<i32>} : memref<512x64xf32, #tpu.memory_space<vmem>>, vector<16xf32>,
      %get3A_36 = arith.index_cast %add3A_25 : i32 to index
      %get3A_37 = arith.constant 16 : index
      %get3A_38 = tpu.vector_load %arg11[%get3A_36, %get3A_37] {strides = array<i32>} : memref<512x64xf32, #tpu.memory_space<vmem>>, vector<16xf32>,
      %mul3A_39 = arith.mulf %get3A_35, %get3A_38 : vector<16xf32>
      %add3A_40 = arith.addf %mul3A_32, %mul3A_39 : vector<16xf32>
      %get3A_41 = arith.index_cast %add3A_25 : i32 to index
      %get3A_42 = arith.constant 32 : index
      %get3A_43 = tpu.vector_load %arg10[%get3A_41, %get3A_42] {strides = array<i32>} : memref<512x64xf32, #tpu.memory_space<vmem>>, vector<16xf32>,
      %get3A_44 = arith.index_cast %add3A_25 : i32 to index
      %get3A_45 = arith.constant 32 : index
      %get3A_46 = tpu.vector_load %arg11[%get3A_44, %get3A_45] {strides = array<i32>} : memref<512x64xf32, #tpu.memory_space<vmem>>, vector<16xf32>,
      %mul3A_47 = arith.mulf %get3A_43, %get3A_46 : vector<16xf32>
      %add3A_48 = arith.addf %add3A_40, %mul3A_47 : vector<16xf32>
      %get3A_49 = arith.index_cast %add3A_25 : i32 to index
      %get3A_50 = arith.constant 48 : index
      %get3A_51 = tpu.vector_load %arg10[%get3A_49, %get3A_50] {strides = array<i32>} : memref<512x64xf32, #tpu.memory_space<vmem>>, vector<16xf32>,
      %get3A_52 = arith.index_cast %add3A_25 : i32 to index
      %get3A_53 = arith.constant 48 : index
      %get3A_54 = tpu.vector_load %arg11[%get3A_52, %get3A_53] {strides = array<i32>} : memref<512x64xf32, #tpu.memory_space<vmem>>, vector<16xf32>,
      %mul3A_55 = arith.mulf %get3A_51, %get3A_54 : vector<16xf32>
      %add3A_56 = arith.addf %add3A_48, %mul3A_55 : vector<16xf32>
      %swap3A = arith.constant 0 : i32
      %swap3A_57 = arith.index_cast %swap3A : i32 to index
      %swap3A_58 = arith.constant 0 : index
      %swap3A_59 = tpu.vector_load %arg12[%swap3A_57, %swap3A_58] {strides = array<i32>} : memref<16x16xf32, #tpu.memory_space<vmem>>, vector<16xf32>,
      tpu.vector_store %arg12[%swap3A_57, %swap3A_58], %add3A_56 {strides = array<i32>} : memref<16x16xf32, #tpu.memory_space<vmem>>, vector<16xf32>,
      %mul3A_60 = arith.constant 16 : i32
      %mul3A_61 = arith.muli %scan3A_20, %mul3A_60 : i32
      %add3A_62 = arith.constant 1 : i32
      %add3A_63 = arith.addi %mul3A_61, %add3A_62 : i32
      %get3A_64 = arith.index_cast %add3A_63 : i32 to index
      %get3A_65 = arith.constant 0 : index
      %get3A_66 = tpu.vector_load %arg10[%get3A_64, %get3A_65] {strides = array<i32>} : memref<512x64xf32, #tpu.memory_space<vmem>>, vector<16xf32>,
      %get3A_67 = arith.index_cast %add3A_63 : i32 to index
      %get3A_68 = arith.constant 0 : index
      %get3A_69 = tpu.vector_load %arg11[%get3A_67, %get3A_68] {strides = array<i32>} : memref<512x64xf32, #tpu.memory_space<vmem>>, vector<16xf32>,
      %mul3A_70 = arith.mulf %get3A_66, %get3A_69 : vector<16xf32>
      %get3A_71 = arith.index_cast %add3A_63 : i32 to index
      %get3A_72 = arith.constant 16 : index
      %get3A_73 = tpu.vector_load %arg10[%get3A_71, %get3A_72] {strides = array<i32>} : memref<512x64xf32, #tpu.memory_space<vmem>>, vector<16xf32>,
      %get3A_74 = arith.index_cast %add3A_63 : i32 to index
      %get3A_75 = arith.constant 16 : index
      %get3A_76 = tpu.vector_load %arg11[%get3A_74, %get3A_75] {strides = array<i32>} : memref<512x64xf32, #tpu.memory_space<vmem>>, vector<16xf32>,
      %mul3A_77 = arith.mulf %get3A_73, %get3A_76 : vector<16xf32>
      %add3A_78 = arith.addf %mul3A_70, %mul3A_77 : vector<16xf32>
      %get3A_79 = arith.index_cast %add3A_63 : i32 to index
      %get3A_80 = arith.constant 32 : index
      %get3A_81 = tpu.vector_load %arg10[%get3A_79, %get3A_80] {strides = array<i32>} : memref<512x64xf32, #tpu.memory_space<vmem>>, vector<16xf32>,
      %get3A_82 = arith.index_cast %add3A_63 : i32 to index
      %get3A_83 = arith.constant 32 : index
      %get3A_84 = tpu.vector_load %arg11[%get3A_82, %get3A_83] {strides = array<i32>} : memref<512x64xf32, #tpu.memory_space<vmem>>, vector<16xf32>,
      %mul3A_85 = arith.mulf %get3A_81, %get3A_84 : vector<16xf32>
      %add3A_86 = arith.addf %add3A_78, %mul3A_85 : vector<16xf32>
      %get3A_87 = arith.index_cast %add3A_63 : i32 to index
      %get3A_88 = arith.constant 48 : index
      %get3A_89 = tpu.vector_load %arg10[%get3A_87, %get3A_88] {strides = array<i32>} : memref<512x64xf32, #tpu.memory_space<vmem>>, vector<16xf32>,
      %get3A_90 = arith.index_cast %add3A_63 : i32 to index
      %get3A_91 = arith.constant 48 : index
      %get3A_92 = tpu.vector_load %arg11[%get3A_90, %get3A_91] {strides = array<i32>} : memref<512x64xf32, #tpu.memory_space<vmem>>, vector<16xf32>,
      %mul3A_93 = arith.mulf %get3A_89, %get3A_92 : vector<16xf32>
      %add3A_94 = arith.addf %add3A_86, %mul3A_93 : vector<16xf32>
      %swap3A_95 = arith.constant 1 : i32
      %swap3A_96 = arith.index_cast %swap3A_95 : i32 to index
      %swap3A_97 = arith.constant 0 : index
      %swap3A_98 = tpu.vector_load %arg12[%swap3A_96, %swap3A_97] {strides = array<i32>} : memref<16x16xf32, #tpu.memory_space<vmem>>, vector<16xf32>,
      tpu.vector_store %arg12[%swap3A_96, %swap3A_97], %add3A_94 {strides = array<i32>} : memref<16x16xf32, #tpu.memory_space<vmem>>, vector<16xf32>,
      %mul3A_99 = arith.constant 16 : i32
      %mul3A_100 = arith.muli %scan3A_20, %mul3A_99 : i32
      %add3A_101 = arith.constant 2 : i32
      %add3A_102 = arith.addi %mul3A_100, %add3A_101 : i32
      %get3A_103 = arith.index_cast %add3A_102 : i32 to index
      %get3A_104 = arith.constant 0 : index
      %get3A_105 = tpu.vector_load %arg10[%get3A_103, %get3A_104] {strides = array<i32>} : memref<512x64xf32, #tpu.memory_space<vmem>>, vector<16xf32>,
      %get3A_106 = arith.index_cast %add3A_102 : i32 to index
      %get3A_107 = arith.constant 0 : index
      %get3A_108 = tpu.vector_load %arg11[%get3A_106, %get3A_107] {strides = array<i32>} : memref<512x64xf32, #tpu.memory_space<vmem>>, vector<16xf32>,
      %mul3A_109 = arith.mulf %get3A_105, %get3A_108 : vector<16xf32>
      %get3A_110 = arith.index_cast %add3A_102 : i32 to index
      %get3A_111 = arith.constant 16 : index
      %get3A_112 = tpu.vector_load %arg10[%get3A_110, %get3A_111] {strides = array<i32>} : memref<512x64xf32, #tpu.memory_space<vmem>>, vector<16xf32>,
      %get3A_113 = arith.index_cast %add3A_102 : i32 to index
      %get3A_114 = arith.constant 16 : index
      %get3A_115 = tpu.vector_load %arg11[%get3A_113, %get3A_114] {strides = array<i32>} : memref<512x64xf32, #tpu.memory_space<vmem>>, vector<16xf32>,
      %mul3A_116 = arith.mulf %get3A_112, %get3A_115 : vector<16xf32>
      %add3A_117 = arith.addf %mul3A_109, %mul3A_116 : vector<16xf32>
      %get3A_118 = arith.index_cast %add3A_102 : i32 to index
      %get3A_119 = arith.constant 32 : index
      %get3A_120 = tpu.vector_load %arg10[%get3A_118, %get3A_119] {strides = array<i32>} : memref<512x64xf32, #tpu.memory_space<vmem>>, vector<16xf32>,
      %get3A_121 = arith.index_cast %add3A_102 : i32 to index
      %get3A_122 = arith.constant 32 : index
      %get3A_123 = tpu.vector_load %arg11[%get3A_121, %get3A_122] {strides = array<i32>} : memref<512x64xf32, #tpu.memory_space<vmem>>, vector<16xf32>,
      %mul3A_124 = arith.mulf %get3A_120, %get3A_123 : vector<16xf32>
      %add3A_125 = arith.addf %add3A_117, %mul3A_124 : vector<16xf32>
      %get3A_126 = arith.index_cast %add3A_102 : i32 to index
      %get3A_127 = arith.constant 48 : index
      %get3A_128 = tpu.vector_load %arg10[%get3A_126, %get3A_127] {strides = array<i32>} : memref<512x64xf32, #tpu.memory_space<vmem>>, vector<16xf32>,
      %get3A_129 = arith.index_cast %add3A_102 : i32 to index
      %get3A_130 = arith.constant 48 : index
      %get3A_131 = tpu.vector_load %arg11[%get3A_129, %get3A_130] {strides = array<i32>} : memref<512x64xf32, #tpu.memory_space<vmem>>, vector<16xf32>,
      %mul3A_132 = arith.mulf %get3A_128, %get3A_131 : vector<16xf32>
      %add3A_133 = arith.addf %add3A_125, %mul3A_132 : vector<16xf32>
      %swap3A_134 = arith.constant 2 : i32
      %swap3A_135 = arith.index_cast %swap3A_134 : i32 to index
      %swap3A_136 = arith.constant 0 : index
      %swap3A_137 = tpu.vector_load %arg12[%swap3A_135, %swap3A_136] {strides = array<i32>} : memref<16x16xf32, #tpu.memory_space<vmem>>, vector<16xf32>,
      tpu.vector_store %arg12[%swap3A_135, %swap3A_136], %add3A_133 {strides = array<i32>} : memref<16x16xf32, #tpu.memory_space<vmem>>, vector<16xf32>,
      %mul3A_138 = arith.constant 16 : i32
      %mul3A_139 = arith.muli %scan3A_20, %mul3A_138 : i32
      %add3A_140 = arith.constant 3 : i32
      %add3A_141 = arith.addi %mul3A_139, %add3A_140 : i32
      %get3A_142 = arith.index_cast %add3A_141 : i32 to index
      %get3A_143 = arith.constant 0 : index
      %get3A_144 = tpu.vector_load %arg10[%get3A_142, %get3A_143] {strides = array<i32>} : memref<512x64xf32, #tpu.memory_space<vmem>>, vector<16xf32>,
      %get3A_145 = arith.index_cast %add3A_141 : i32 to index
      %get3A_146 = arith.constant 0 : index
      %get3A_147 = tpu.vector_load %arg11[%get3A_145, %get3A_146] {strides = array<i32>} : memref<512x64xf32, #tpu.memory_space<vmem>>, vector<16xf32>,
      %mul3A_148 = arith.mulf %get3A_144, %get3A_147 : vector<16xf32>
      %get3A_149 = arith.index_cast %add3A_141 : i32 to index
      %get3A_150 = arith.constant 16 : index
      %get3A_151 = tpu.vector_load %arg10[%get3A_149, %get3A_150] {strides = array<i32>} : memref<512x64xf32, #tpu.memory_space<vmem>>, vector<16xf32>,
      %get3A_152 = arith.index_cast %add3A_141 : i32 to index
      %get3A_153 = arith.constant 16 : index
      %get3A_154 = tpu.vector_load %arg11[%get3A_152, %get3A_153] {strides = array<i32>} : memref<512x64xf32, #tpu.memory_space<vmem>>, vector<16xf32>,
      %mul3A_155 = arith.mulf %get3A_151, %get3A_154 : vector<16xf32>
      %add3A_156 = arith.addf %mul3A_148, %mul3A_155 : vector<16xf32>
      %get3A_157 = arith.index_cast %add3A_141 : i32 to index
      %get3A_158 = arith.constant 32 : index
      %get3A_159 = tpu.vector_load %arg10[%get3A_157, %get3A_158] {strides = array<i32>} : memref<512x64xf32, #tpu.memory_space<vmem>>, vector<16xf32>,
      %get3A_160 = arith.index_cast %add3A_141 : i32 to index
      %get3A_161 = arith.constant 32 : index
      %get3A_162 = tpu.vector_load %arg11[%get3A_160, %get3A_161] {strides = array<i32>} : memref<512x64xf32, #tpu.memory_space<vmem>>, vector<16xf32>,
      %mul3A_163 = arith.mulf %get3A_159, %get3A_162 : vector<16xf32>
      %add3A_164 = arith.addf %add3A_156, %mul3A_163 : vector<16xf32>
      %get3A_165 = arith.index_cast %add3A_141 : i32 to index
      %get3A_166 = arith.constant 48 : index
      %get3A_167 = tpu.vector_load %arg10[%get3A_165, %get3A_166] {strides = array<i32>} : memref<512x64xf32, #tpu.memory_space<vmem>>, vector<16xf32>,
      %get3A_168 = arith.index_cast %add3A_141 : i32 to index
      %get3A_169 = arith.constant 48 : index
      %get3A_170 = tpu.vector_load %arg11[%get3A_168, %get3A_169] {strides = array<i32>} : memref<512x64xf32, #tpu.memory_space<vmem>>, vector<16xf32>,
      %mul3A_171 = arith.mulf %get3A_167, %get3A_170 : vector<16xf32>
      %add3A_172 = arith.addf %add3A_164, %mul3A_171 : vector<16xf32>
      %swap3A_173 = arith.constant 3 : i32
      %swap3A_174 = arith.index_cast %swap3A_173 : i32 to index
      %swap3A_175 = arith.constant 0 : index
      %swap3A_176 = tpu.vector_load %arg12[%swap3A_174, %swap3A_175] {strides = array<i32>} : memref<16x16xf32, #tpu.memory_space<vmem>>, vector<16xf32>,
      tpu.vector_store %arg12[%swap3A_174, %swap3A_175], %add3A_172 {strides = array<i32>} : memref<16x16xf32, #tpu.memory_space<vmem>>, vector<16xf32>,
      %mul3A_177 = arith.constant 16 : i32
      %mul3A_178 = arith.muli %scan3A_20, %mul3A_177 : i32
      %add3A_179 = arith.constant 4 : i32
      %add3A_180 = arith.addi %mul3A_178, %add3A_179 : i32
      %get3A_181 = arith.index_cast %add3A_180 : i32 to index
      %get3A_182 = arith.constant 0 : index
      %get3A_183 = tpu.vector_load %arg10[%get3A_181, %get3A_182] {strides = array<i32>} : memref<512x64xf32, #tpu.memory_space<vmem>>, vector<16xf32>,
      %get3A_184 = arith.index_cast %add3A_180 : i32 to index
      %get3A_185 = arith.constant 0 : index
      %get3A_186 = tpu.vector_load %arg11[%get3A_184, %get3A_185] {strides = array<i32>} : memref<512x64xf32, #tpu.memory_space<vmem>>, vector<16xf32>,
      %mul3A_187 = arith.mulf %get3A_183, %get3A_186 : vector<16xf32>
      %get3A_188 = arith.index_cast %add3A_180 : i32 to index
      %get3A_189 = arith.constant 16 : index
      %get3A_190 = tpu.vector_load %arg10[%get3A_188, %get3A_189] {strides = array<i32>} : memref<512x64xf32, #tpu.memory_space<vmem>>, vector<16xf32>,
      %get3A_191 = arith.index_cast %add3A_180 : i32 to index
      %get3A_192 = arith.constant 16 : index
      %get3A_193 = tpu.vector_load %arg11[%get3A_191, %get3A_192] {strides = array<i32>} : memref<512x64xf32, #tpu.memory_space<vmem>>, vector<16xf32>,
      %mul3A_194 = arith.mulf %get3A_190, %get3A_193 : vector<16xf32>
      %add3A_195 = arith.addf %mul3A_187, %mul3A_194 : vector<16xf32>
      %get3A_196 = arith.index_cast %add3A_180 : i32 to index
      %get3A_197 = arith.constant 32 : index
      %get3A_198 = tpu.vector_load %arg10[%get3A_196, %get3A_197] {strides = array<i32>} : memref<512x64xf32, #tpu.memory_space<vmem>>, vector<16xf32>,
      %get3A_199 = arith.index_cast %add3A_180 : i32 to index
      %get3A_200 = arith.constant 32 : index
      %get3A_201 = tpu.vector_load %arg11[%get3A_199, %get3A_200] {strides = array<i32>} : memref<512x64xf32, #tpu.memory_space<vmem>>, vector<16xf32>,
      %mul3A_202 = arith.mulf %get3A_198, %get3A_201 : vector<16xf32>
      %add3A_203 = arith.addf %add3A_195, %mul3A_202 : vector<16xf32>
      %get3A_204 = arith.index_cast %add3A_180 : i32 to index
      %get3A_205 = arith.constant 48 : index
      %get3A_206 = tpu.vector_load %arg10[%get3A_204, %get3A_205] {strides = array<i32>} : memref<512x64xf32, #tpu.memory_space<vmem>>, vector<16xf32>,
      %get3A_207 = arith.index_cast %add3A_180 : i32 to index
      %get3A_208 = arith.constant 48 : index
      %get3A_209 = tpu.vector_load %arg11[%get3A_207, %get3A_208] {strides = array<i32>} : memref<512x64xf32, #tpu.memory_space<vmem>>, vector<16xf32>,
      %mul3A_210 = arith.mulf %get3A_206, %get3A_209 : vector<16xf32>
      %add3A_211 = arith.addf %add3A_203, %mul3A_210 : vector<16xf32>
      %swap3A_212 = arith.constant 4 : i32
      %swap3A_213 = arith.index_cast %swap3A_212 : i32 to index
      %swap3A_214 = arith.constant 0 : index
      %swap3A_215 = tpu.vector_load %arg12[%swap3A_213, %swap3A_214] {strides = array<i32>} : memref<16x16xf32, #tpu.memory_space<vmem>>, vector<16xf32>,
      tpu.vector_store %arg12[%swap3A_213, %swap3A_214], %add3A_211 {strides = array<i32>} : memref<16x16xf32, #tpu.memory_space<vmem>>, vector<16xf32>,
      %mul3A_216 = arith.constant 16 : i32
      %mul3A_217 = arith.muli %scan3A_20, %mul3A_216 : i32
      %add3A_218 = arith.constant 5 : i32
      %add3A_219 = arith.addi %mul3A_217, %add3A_218 : i32
      %get3A_220 = arith.index_cast %add3A_219 : i32 to index
      %get3A_221 = arith.constant 0 : index
      %get3A_222 = tpu.vector_load %arg10[%get3A_220, %get3A_221] {strides = array<i32>} : memref<512x64xf32, #tpu.memory_space<vmem>>, vector<16xf32>,
      %get3A_223 = arith.index_cast %add3A_219 : i32 to index
      %get3A_224 = arith.constant 0 : index
      %get3A_225 = tpu.vector_load %arg11[%get3A_223, %get3A_224] {strides = array<i32>} : memref<512x64xf32, #tpu.memory_space<vmem>>, vector<16xf32>,
      %mul3A_226 = arith.mulf %get3A_222, %get3A_225 : vector<16xf32>
      %get3A_227 = arith.index_cast %add3A_219 : i32 to index
      %get3A_228 = arith.constant 16 : index
      %get3A_229 = tpu.vector_load %arg10[%get3A_227, %get3A_228] {strides = array<i32>} : memref<512x64xf32, #tpu.memory_space<vmem>>, vector<16xf32>,
      %get3A_230 = arith.index_cast %add3A_219 : i32 to index
      %get3A_231 = arith.constant 16 : index
      %get3A_232 = tpu.vector_load %arg11[%get3A_230, %get3A_231] {strides = array<i32>} : memref<512x64xf32, #tpu.memory_space<vmem>>, vector<16xf32>,
      %mul3A_233 = arith.mulf %get3A_229, %get3A_232 : vector<16xf32>
      %add3A_234 = arith.addf %mul3A_226, %mul3A_233 : vector<16xf32>
      %get3A_235 = arith.index_cast %add3A_219 : i32 to index
      %get3A_236 = arith.constant 32 : index
      %get3A_237 = tpu.vector_load %arg10[%get3A_235, %get3A_236] {strides = array<i32>} : memref<512x64xf32, #tpu.memory_space<vmem>>, vector<16xf32>,
      %get3A_238 = arith.index_cast %add3A_219 : i32 to index
      %get3A_239 = arith.constant 32 : index
      %get3A_240 = tpu.vector_load %arg11[%get3A_238, %get3A_239] {strides = array<i32>} : memref<512x64xf32, #tpu.memory_space<vmem>>, vector<16xf32>,
      %mul3A_241 = arith.mulf %get3A_237, %get3A_240 : vector<16xf32>
      %add3A_242 = arith.addf %add3A_234, %mul3A_241 : vector<16xf32>
      %get3A_243 = arith.index_cast %add3A_219 : i32 to index
      %get3A_244 = arith.constant 48 : index
      %get3A_245 = tpu.vector_load %arg10[%get3A_243, %get3A_244] {strides = array<i32>} : memref<512x64xf32, #tpu.memory_space<vmem>>, vector<16xf32>,
      %get3A_246 = arith.index_cast %add3A_219 : i32 to index
      %get3A_247 = arith.constant 48 : index
      %get3A_248 = tpu.vector_load %arg11[%get3A_246, %get3A_247] {strides = array<i32>} : memref<512x64xf32, #tpu.memory_space<vmem>>, vector<16xf32>,
      %mul3A_249 = arith.mulf %get3A_245, %get3A_248 : vector<16xf32>
      %add3A_250 = arith.addf %add3A_242, %mul3A_249 : vector<16xf32>
      %swap3A_251 = arith.constant 5 : i32
      %swap3A_252 = arith.index_cast %swap3A_251 : i32 to index
      %swap3A_253 = arith.constant 0 : index
      %swap3A_254 = tpu.vector_load %arg12[%swap3A_252, %swap3A_253] {strides = array<i32>} : memref<16x16xf32, #tpu.memory_space<vmem>>, vector<16xf32>,
      tpu.vector_store %arg12[%swap3A_252, %swap3A_253], %add3A_250 {strides = array<i32>} : memref<16x16xf32, #tpu.memory_space<vmem>>, vector<16xf32>,
      %mul3A_255 = arith.constant 16 : i32
      %mul3A_256 = arith.muli %scan3A_20, %mul3A_255 : i32
      %add3A_257 = arith.constant 6 : i32
      %add3A_258 = arith.addi %mul3A_256, %add3A_257 : i32
      %get3A_259 = arith.index_cast %add3A_258 : i32 to index
      %get3A_260 = arith.constant 0 : index
      %get3A_261 = tpu.vector_load %arg10[%get3A_259, %get3A_260] {strides = array<i32>} : memref<512x64xf32, #tpu.memory_space<vmem>>, vector<16xf32>,
      %get3A_262 = arith.index_cast %add3A_258 : i32 to index
      %get3A_263 = arith.constant 0 : index
      %get3A_264 = tpu.vector_load %arg11[%get3A_262, %get3A_263] {strides = array<i32>} : memref<512x64xf32, #tpu.memory_space<vmem>>, vector<16xf32>,
      %mul3A_265 = arith.mulf %get3A_261, %get3A_264 : vector<16xf32>
      %get3A_266 = arith.index_cast %add3A_258 : i32 to index
      %get3A_267 = arith.constant 16 : index
      %get3A_268 = tpu.vector_load %arg10[%get3A_266, %get3A_267] {strides = array<i32>} : memref<512x64xf32, #tpu.memory_space<vmem>>, vector<16xf32>,
      %get3A_269 = arith.index_cast %add3A_258 : i32 to index
      %get3A_270 = arith.constant 16 : index
      %get3A_271 = tpu.vector_load %arg11[%get3A_269, %get3A_270] {strides = array<i32>} : memref<512x64xf32, #tpu.memory_space<vmem>>, vector<16xf32>,
      %mul3A_272 = arith.mulf %get3A_268, %get3A_271 : vector<16xf32>
      %add3A_273 = arith.addf %mul3A_265, %mul3A_272 : vector<16xf32>
      %get3A_274 = arith.index_cast %add3A_258 : i32 to index
      %get3A_275 = arith.constant 32 : index
      %get3A_276 = tpu.vector_load %arg10[%get3A_274, %get3A_275] {strides = array<i32>} : memref<512x64xf32, #tpu.memory_space<vmem>>, vector<16xf32>,
      %get3A_277 = arith.index_cast %add3A_258 : i32 to index
      %get3A_278 = arith.constant 32 : index
      %get3A_279 = tpu.vector_load %arg11[%get3A_277, %get3A_278] {strides = array<i32>} : memref<512x64xf32, #tpu.memory_space<vmem>>, vector<16xf32>,
      %mul3A_280 = arith.mulf %get3A_276, %get3A_279 : vector<16xf32>
      %add3A_281 = arith.addf %add3A_273, %mul3A_280 : vector<16xf32>
      %get3A_282 = arith.index_cast %add3A_258 : i32 to index
      %get3A_283 = arith.constant 48 : index
      %get3A_284 = tpu.vector_load %arg10[%get3A_282, %get3A_283] {strides = array<i32>} : memref<512x64xf32, #tpu.memory_space<vmem>>, vector<16xf32>,
      %get3A_285 = arith.index_cast %add3A_258 : i32 to index
      %get3A_286 = arith.constant 48 : index
      %get3A_287 = tpu.vector_load %arg11[%get3A_285, %get3A_286] {strides = array<i32>} : memref<512x64xf32, #tpu.memory_space<vmem>>, vector<16xf32>,
      %mul3A_288 = arith.mulf %get3A_284, %get3A_287 : vector<16xf32>
      %add3A_289 = arith.addf %add3A_281, %mul3A_288 : vector<16xf32>
      %swap3A_290 = arith.constant 6 : i32
      %swap3A_291 = arith.index_cast %swap3A_290 : i32 to index
      %swap3A_292 = arith.constant 0 : index
      %swap3A_293 = tpu.vector_load %arg12[%swap3A_291, %swap3A_292] {strides = array<i32>} : memref<16x16xf32, #tpu.memory_space<vmem>>, vector<16xf32>,
      tpu.vector_store %arg12[%swap3A_291, %swap3A_292], %add3A_289 {strides = array<i32>} : memref<16x16xf32, #tpu.memory_space<vmem>>, vector<16xf32>,
      %mul3A_294 = arith.constant 16 : i32
      %mul3A_295 = arith.muli %scan3A_20, %mul3A_294 : i32
      %add3A_296 = arith.constant 7 : i32
      %add3A_297 = arith.addi %mul3A_295, %add3A_296 : i32
      %get3A_298 = arith.index_cast %add3A_297 : i32 to index
      %get3A_299 = arith.constant 0 : index
      %get3A_300 = tpu.vector_load %arg10[%get3A_298, %get3A_299] {strides = array<i32>} : memref<512x64xf32, #tpu.memory_space<vmem>>, vector<16xf32>,
      %get3A_301 = arith.index_cast %add3A_297 : i32 to index
      %get3A_302 = arith.constant 0 : index
      %get3A_303 = tpu.vector_load %arg11[%get3A_301, %get3A_302] {strides = array<i32>} : memref<512x64xf32, #tpu.memory_space<vmem>>, vector<16xf32>,
      %mul3A_304 = arith.mulf %get3A_300, %get3A_303 : vector<16xf32>
      %get3A_305 = arith.index_cast %add3A_297 : i32 to index
      %get3A_306 = arith.constant 16 : index
      %get3A_307 = tpu.vector_load %arg10[%get3A_305, %get3A_306] {strides = array<i32>} : memref<512x64xf32, #tpu.memory_space<vmem>>, vector<16xf32>,
      %get3A_308 = arith.index_cast %add3A_297 : i32 to index
      %get3A_309 = arith.constant 16 : index
      %get3A_310 = tpu.vector_load %arg11[%get3A_308, %get3A_309] {strides = array<i32>} : memref<512x64xf32, #tpu.memory_space<vmem>>, vector<16xf32>,
      %mul3A_311 = arith.mulf %get3A_307, %get3A_310 : vector<16xf32>
      %add3A_312 = arith.addf %mul3A_304, %mul3A_311 : vector<16xf32>
      %get3A_313 = arith.index_cast %add3A_297 : i32 to index
      %get3A_314 = arith.constant 32 : index
      %get3A_315 = tpu.vector_load %arg10[%get3A_313, %get3A_314] {strides = array<i32>} : memref<512x64xf32, #tpu.memory_space<vmem>>, vector<16xf32>,
      %get3A_316 = arith.index_cast %add3A_297 : i32 to index
      %get3A_317 = arith.constant 32 : index
      %get3A_318 = tpu.vector_load %arg11[%get3A_316, %get3A_317] {strides = array<i32>} : memref<512x64xf32, #tpu.memory_space<vmem>>, vector<16xf32>,
      %mul3A_319 = arith.mulf %get3A_315, %get3A_318 : vector<16xf32>
      %add3A_320 = arith.addf %add3A_312, %mul3A_319 : vector<16xf32>
      %get3A_321 = arith.index_cast %add3A_297 : i32 to index
      %get3A_322 = arith.constant 48 : index
      %get3A_323 = tpu.vector_load %arg10[%get3A_321, %get3A_322] {strides = array<i32>} : memref<512x64xf32, #tpu.memory_space<vmem>>, vector<16xf32>,
      %get3A_324 = arith.index_cast %add3A_297 : i32 to index
      %get3A_325 = arith.constant 48 : index
      %get3A_326 = tpu.vector_load %arg11[%get3A_324, %get3A_325] {strides = array<i32>} : memref<512x64xf32, #tpu.memory_space<vmem>>, vector<16xf32>,
      %mul3A_327 = arith.mulf %get3A_323, %get3A_326 : vector<16xf32>
      %add3A_328 = arith.addf %add3A_320, %mul3A_327 : vector<16xf32>
      %swap3A_329 = arith.constant 7 : i32
      %swap3A_330 = arith.index_cast %swap3A_329 : i32 to index
      %swap3A_331 = arith.constant 0 : index
      %swap3A_332 = tpu.vector_load %arg12[%swap3A_330, %swap3A_331] {strides = array<i32>} : memref<16x16xf32, #tpu.memory_space<vmem>>, vector<16xf32>,
      tpu.vector_store %arg12[%swap3A_330, %swap3A_331], %add3A_328 {strides = array<i32>} : memref<16x16xf32, #tpu.memory_space<vmem>>, vector<16xf32>,
      %mul3A_333 = arith.constant 16 : i32
      %mul3A_334 = arith.muli %scan3A_20, %mul3A_333 : i32
      %add3A_335 = arith.constant 8 : i32
      %add3A_336 = arith.addi %mul3A_334, %add3A_335 : i32
      %get3A_337 = arith.index_cast %add3A_336 : i32 to index
      %get3A_338 = arith.constant 0 : index
      %get3A_339 = tpu.vector_load %arg10[%get3A_337, %get3A_338] {strides = array<i32>} : memref<512x64xf32, #tpu.memory_space<vmem>>, vector<16xf32>,
      %get3A_340 = arith.index_cast %add3A_336 : i32 to index
      %get3A_341 = arith.constant 0 : index
      %get3A_342 = tpu.vector_load %arg11[%get3A_340, %get3A_341] {strides = array<i32>} : memref<512x64xf32, #tpu.memory_space<vmem>>, vector<16xf32>,
      %mul3A_343 = arith.mulf %get3A_339, %get3A_342 : vector<16xf32>
      %get3A_344 = arith.index_cast %add3A_336 : i32 to index
      %get3A_345 = arith.constant 16 : index
      %get3A_346 = tpu.vector_load %arg10[%get3A_344, %get3A_345] {strides = array<i32>} : memref<512x64xf32, #tpu.memory_space<vmem>>, vector<16xf32>,
      %get3A_347 = arith.index_cast %add3A_336 : i32 to index
      %get3A_348 = arith.constant 16 : index
      %get3A_349 = tpu.vector_load %arg11[%get3A_347, %get3A_348] {strides = array<i32>} : memref<512x64xf32, #tpu.memory_space<vmem>>, vector<16xf32>,
      %mul3A_350 = arith.mulf %get3A_346, %get3A_349 : vector<16xf32>
      %add3A_351 = arith.addf %mul3A_343, %mul3A_350 : vector<16xf32>
      %get3A_352 = arith.index_cast %add3A_336 : i32 to index
      %get3A_353 = arith.constant 32 : index
      %get3A_354 = tpu.vector_load %arg10[%get3A_352, %get3A_353] {strides = array<i32>} : memref<512x64xf32, #tpu.memory_space<vmem>>, vector<16xf32>,
      %get3A_355 = arith.index_cast %add3A_336 : i32 to index
      %get3A_356 = arith.constant 32 : index
      %get3A_357 = tpu.vector_load %arg11[%get3A_355, %get3A_356] {strides = array<i32>} : memref<512x64xf32, #tpu.memory_space<vmem>>, vector<16xf32>,
      %mul3A_358 = arith.mulf %get3A_354, %get3A_357 : vector<16xf32>
      %add3A_359 = arith.addf %add3A_351, %mul3A_358 : vector<16xf32>
      %get3A_360 = arith.index_cast %add3A_336 : i32 to index
      %get3A_361 = arith.constant 48 : index
      %get3A_362 = tpu.vector_load %arg10[%get3A_360, %get3A_361] {strides = array<i32>} : memref<512x64xf32, #tpu.memory_space<vmem>>, vector<16xf32>,
      %get3A_363 = arith.index_cast %add3A_336 : i32 to index
      %get3A_364 = arith.constant 48 : index
      %get3A_365 = tpu.vector_load %arg11[%get3A_363, %get3A_364] {strides = array<i32>} : memref<512x64xf32, #tpu.memory_space<vmem>>, vector<16xf32>,
      %mul3A_366 = arith.mulf %get3A_362, %get3A_365 : vector<16xf32>
      %add3A_367 = arith.addf %add3A_359, %mul3A_366 : vector<16xf32>
      %swap3A_368 = arith.constant 8 : i32
      %swap3A_369 = arith.index_cast %swap3A_368 : i32 to index
      %swap3A_370 = arith.constant 0 : index
      %swap3A_371 = tpu.vector_load %arg12[%swap3A_369, %swap3A_370] {strides = array<i32>} : memref<16x16xf32, #tpu.memory_space<vmem>>, vector<16xf32>,
      tpu.vector_store %arg12[%swap3A_369, %swap3A_370], %add3A_367 {strides = array<i32>} : memref<16x16xf32, #tpu.memory_space<vmem>>, vector<16xf32>,
      %mul3A_372 = arith.constant 16 : i32
      %mul3A_373 = arith.muli %scan3A_20, %mul3A_372 : i32
      %add3A_374 = arith.constant 9 : i32
      %add3A_375 = arith.addi %mul3A_373, %add3A_374 : i32
      %get3A_376 = arith.index_cast %add3A_375 : i32 to index
      %get3A_377 = arith.constant 0 : index
      %get3A_378 = tpu.vector_load %arg10[%get3A_376, %get3A_377] {strides = array<i32>} : memref<512x64xf32, #tpu.memory_space<vmem>>, vector<16xf32>,
      %get3A_379 = arith.index_cast %add3A_375 : i32 to index
      %get3A_380 = arith.constant 0 : index
      %get3A_381 = tpu.vector_load %arg11[%get3A_379, %get3A_380] {strides = array<i32>} : memref<512x64xf32, #tpu.memory_space<vmem>>, vector<16xf32>,
      %mul3A_382 = arith.mulf %get3A_378, %get3A_381 : vector<16xf32>
      %get3A_383 = arith.index_cast %add3A_375 : i32 to index
      %get3A_384 = arith.constant 16 : index
      %get3A_385 = tpu.vector_load %arg10[%get3A_383, %get3A_384] {strides = array<i32>} : memref<512x64xf32, #tpu.memory_space<vmem>>, vector<16xf32>,
      %get3A_386 = arith.index_cast %add3A_375 : i32 to index
      %get3A_387 = arith.constant 16 : index
      %get3A_388 = tpu.vector_load %arg11[%get3A_386, %get3A_387] {strides = array<i32>} : memref<512x64xf32, #tpu.memory_space<vmem>>, vector<16xf32>,
      %mul3A_389 = arith.mulf %get3A_385, %get3A_388 : vector<16xf32>
      %add3A_390 = arith.addf %mul3A_382, %mul3A_389 : vector<16xf32>
      %get3A_391 = arith.index_cast %add3A_375 : i32 to index
      %get3A_392 = arith.constant 32 : index
      %get3A_393 = tpu.vector_load %arg10[%get3A_391, %get3A_392] {strides = array<i32>} : memref<512x64xf32, #tpu.memory_space<vmem>>, vector<16xf32>,
      %get3A_394 = arith.index_cast %add3A_375 : i32 to index
      %get3A_395 = arith.constant 32 : index
      %get3A_396 = tpu.vector_load %arg11[%get3A_394, %get3A_395] {strides = array<i32>} : memref<512x64xf32, #tpu.memory_space<vmem>>, vector<16xf32>,
      %mul3A_397 = arith.mulf %get3A_393, %get3A_396 : vector<16xf32>
      %add3A_398 = arith.addf %add3A_390, %mul3A_397 : vector<16xf32>
      %get3A_399 = arith.index_cast %add3A_375 : i32 to index
      %get3A_400 = arith.constant 48 : index
      %get3A_401 = tpu.vector_load %arg10[%get3A_399, %get3A_400] {strides = array<i32>} : memref<512x64xf32, #tpu.memory_space<vmem>>, vector<16xf32>,
      %get3A_402 = arith.index_cast %add3A_375 : i32 to index
      %get3A_403 = arith.constant 48 : index
      %get3A_404 = tpu.vector_load %arg11[%get3A_402, %get3A_403] {strides = array<i32>} : memref<512x64xf32, #tpu.memory_space<vmem>>, vector<16xf32>,
      %mul3A_405 = arith.mulf %get3A_401, %get3A_404 : vector<16xf32>
      %add3A_406 = arith.addf %add3A_398, %mul3A_405 : vector<16xf32>
      %swap3A_407 = arith.constant 9 : i32
      %swap3A_408 = arith.index_cast %swap3A_407 : i32 to index
      %swap3A_409 = arith.constant 0 : index
      %swap3A_410 = tpu.vector_load %arg12[%swap3A_408, %swap3A_409] {strides = array<i32>} : memref<16x16xf32, #tpu.memory_space<vmem>>, vector<16xf32>,
      tpu.vector_store %arg12[%swap3A_408, %swap3A_409], %add3A_406 {strides = array<i32>} : memref<16x16xf32, #tpu.memory_space<vmem>>, vector<16xf32>,
      %mul3A_411 = arith.constant 16 : i32
      %mul3A_412 = arith.muli %scan3A_20, %mul3A_411 : i32
      %add3A_413 = arith.constant 10 : i32
      %add3A_414 = arith.addi %mul3A_412, %add3A_413 : i32
      %get3A_415 = arith.index_cast %add3A_414 : i32 to index
      %get3A_416 = arith.constant 0 : index
      %get3A_417 = tpu.vector_load %arg10[%get3A_415, %get3A_416] {strides = array<i32>} : memref<512x64xf32, #tpu.memory_space<vmem>>, vector<16xf32>,
      %get3A_418 = arith.index_cast %add3A_414 : i32 to index
      %get3A_419 = arith.constant 0 : index
      %get3A_420 = tpu.vector_load %arg11[%get3A_418, %get3A_419] {strides = array<i32>} : memref<512x64xf32, #tpu.memory_space<vmem>>, vector<16xf32>,
      %mul3A_421 = arith.mulf %get3A_417, %get3A_420 : vector<16xf32>
      %get3A_422 = arith.index_cast %add3A_414 : i32 to index
      %get3A_423 = arith.constant 16 : index
      %get3A_424 = tpu.vector_load %arg10[%get3A_422, %get3A_423] {strides = array<i32>} : memref<512x64xf32, #tpu.memory_space<vmem>>, vector<16xf32>,
      %get3A_425 = arith.index_cast %add3A_414 : i32 to index
      %get3A_426 = arith.constant 16 : index
      %get3A_427 = tpu.vector_load %arg11[%get3A_425, %get3A_426] {strides = array<i32>} : memref<512x64xf32, #tpu.memory_space<vmem>>, vector<16xf32>,
      %mul3A_428 = arith.mulf %get3A_424, %get3A_427 : vector<16xf32>
      %add3A_429 = arith.addf %mul3A_421, %mul3A_428 : vector<16xf32>
      %get3A_430 = arith.index_cast %add3A_414 : i32 to index
      %get3A_431 = arith.constant 32 : index
      %get3A_432 = tpu.vector_load %arg10[%get3A_430, %get3A_431] {strides = array<i32>} : memref<512x64xf32, #tpu.memory_space<vmem>>, vector<16xf32>,
      %get3A_433 = arith.index_cast %add3A_414 : i32 to index
      %get3A_434 = arith.constant 32 : index
      %get3A_435 = tpu.vector_load %arg11[%get3A_433, %get3A_434] {strides = array<i32>} : memref<512x64xf32, #tpu.memory_space<vmem>>, vector<16xf32>,
      %mul3A_436 = arith.mulf %get3A_432, %get3A_435 : vector<16xf32>
      %add3A_437 = arith.addf %add3A_429, %mul3A_436 : vector<16xf32>
      %get3A_438 = arith.index_cast %add3A_414 : i32 to index
      %get3A_439 = arith.constant 48 : index
      %get3A_440 = tpu.vector_load %arg10[%get3A_438, %get3A_439] {strides = array<i32>} : memref<512x64xf32, #tpu.memory_space<vmem>>, vector<16xf32>,
      %get3A_441 = arith.index_cast %add3A_414 : i32 to index
      %get3A_442 = arith.constant 48 : index
      %get3A_443 = tpu.vector_load %arg11[%get3A_441, %get3A_442] {strides = array<i32>} : memref<512x64xf32, #tpu.memory_space<vmem>>, vector<16xf32>,
      %mul3A_444 = arith.mulf %get3A_440, %get3A_443 : vector<16xf32>
      %add3A_445 = arith.addf %add3A_437, %mul3A_444 : vector<16xf32>
      %swap3A_446 = arith.constant 10 : i32
      %swap3A_447 = arith.index_cast %swap3A_446 : i32 to index
      %swap3A_448 = arith.constant 0 : index
      %swap3A_449 = tpu.vector_load %arg12[%swap3A_447, %swap3A_448] {strides = array<i32>} : memref<16x16xf32, #tpu.memory_space<vmem>>, vector<16xf32>,
      tpu.vector_store %arg12[%swap3A_447, %swap3A_448], %add3A_445 {strides = array<i32>} : memref<16x16xf32, #tpu.memory_space<vmem>>, vector<16xf32>,
      %mul3A_450 = arith.constant 16 : i32
      %mul3A_451 = arith.muli %scan3A_20, %mul3A_450 : i32
      %add3A_452 = arith.constant 11 : i32
      %add3A_453 = arith.addi %mul3A_451, %add3A_452 : i32
      %get3A_454 = arith.index_cast %add3A_453 : i32 to index
      %get3A_455 = arith.constant 0 : index
      %get3A_456 = tpu.vector_load %arg10[%get3A_454, %get3A_455] {strides = array<i32>} : memref<512x64xf32, #tpu.memory_space<vmem>>, vector<16xf32>,
      %get3A_457 = arith.index_cast %add3A_453 : i32 to index
      %get3A_458 = arith.constant 0 : index
      %get3A_459 = tpu.vector_load %arg11[%get3A_457, %get3A_458] {strides = array<i32>} : memref<512x64xf32, #tpu.memory_space<vmem>>, vector<16xf32>,
      %mul3A_460 = arith.mulf %get3A_456, %get3A_459 : vector<16xf32>
      %get3A_461 = arith.index_cast %add3A_453 : i32 to index
      %get3A_462 = arith.constant 16 : index
      %get3A_463 = tpu.vector_load %arg10[%get3A_461, %get3A_462] {strides = array<i32>} : memref<512x64xf32, #tpu.memory_space<vmem>>, vector<16xf32>,
      %get3A_464 = arith.index_cast %add3A_453 : i32 to index
      %get3A_465 = arith.constant 16 : index
      %get3A_466 = tpu.vector_load %arg11[%get3A_464, %get3A_465] {strides = array<i32>} : memref<512x64xf32, #tpu.memory_space<vmem>>, vector<16xf32>,
      %mul3A_467 = arith.mulf %get3A_463, %get3A_466 : vector<16xf32>
      %add3A_468 = arith.addf %mul3A_460, %mul3A_467 : vector<16xf32>
      %get3A_469 = arith.index_cast %add3A_453 : i32 to index
      %get3A_470 = arith.constant 32 : index
      %get3A_471 = tpu.vector_load %arg10[%get3A_469, %get3A_470] {strides = array<i32>} : memref<512x64xf32, #tpu.memory_space<vmem>>, vector<16xf32>,
      %get3A_472 = arith.index_cast %add3A_453 : i32 to index
      %get3A_473 = arith.constant 32 : index
      %get3A_474 = tpu.vector_load %arg11[%get3A_472, %get3A_473] {strides = array<i32>} : memref<512x64xf32, #tpu.memory_space<vmem>>, vector<16xf32>,
      %mul3A_475 = arith.mulf %get3A_471, %get3A_474 : vector<16xf32>
      %add3A_476 = arith.addf %add3A_468, %mul3A_475 : vector<16xf32>
      %get3A_477 = arith.index_cast %add3A_453 : i32 to index
      %get3A_478 = arith.constant 48 : index
      %get3A_479 = tpu.vector_load %arg10[%get3A_477, %get3A_478] {strides = array<i32>} : memref<512x64xf32, #tpu.memory_space<vmem>>, vector<16xf32>,
      %get3A_480 = arith.index_cast %add3A_453 : i32 to index
      %get3A_481 = arith.constant 48 : index
      %get3A_482 = tpu.vector_load %arg11[%get3A_480, %get3A_481] {strides = array<i32>} : memref<512x64xf32, #tpu.memory_space<vmem>>, vector<16xf32>,
      %mul3A_483 = arith.mulf %get3A_479, %get3A_482 : vector<16xf32>
      %add3A_484 = arith.addf %add3A_476, %mul3A_483 : vector<16xf32>
      %swap3A_485 = arith.constant 11 : i32
      %swap3A_486 = arith.index_cast %swap3A_485 : i32 to index
      %swap3A_487 = arith.constant 0 : index
      %swap3A_488 = tpu.vector_load %arg12[%swap3A_486, %swap3A_487] {strides = array<i32>} : memref<16x16xf32, #tpu.memory_space<vmem>>, vector<16xf32>,
      tpu.vector_store %arg12[%swap3A_486, %swap3A_487], %add3A_484 {strides = array<i32>} : memref<16x16xf32, #tpu.memory_space<vmem>>, vector<16xf32>,
      %mul3A_489 = arith.constant 16 : i32
      %mul3A_490 = arith.muli %scan3A_20, %mul3A_489 : i32
      %add3A_491 = arith.constant 12 : i32
      %add3A_492 = arith.addi %mul3A_490, %add3A_491 : i32
      %get3A_493 = arith.index_cast %add3A_492 : i32 to index
      %get3A_494 = arith.constant 0 : index
      %get3A_495 = tpu.vector_load %arg10[%get3A_493, %get3A_494] {strides = array<i32>} : memref<512x64xf32, #tpu.memory_space<vmem>>, vector<16xf32>,
      %get3A_496 = arith.index_cast %add3A_492 : i32 to index
      %get3A_497 = arith.constant 0 : index
      %get3A_498 = tpu.vector_load %arg11[%get3A_496, %get3A_497] {strides = array<i32>} : memref<512x64xf32, #tpu.memory_space<vmem>>, vector<16xf32>,
      %mul3A_499 = arith.mulf %get3A_495, %get3A_498 : vector<16xf32>
      %get3A_500 = arith.index_cast %add3A_492 : i32 to index
      %get3A_501 = arith.constant 16 : index
      %get3A_502 = tpu.vector_load %arg10[%get3A_500, %get3A_501] {strides = array<i32>} : memref<512x64xf32, #tpu.memory_space<vmem>>, vector<16xf32>,
      %get3A_503 = arith.index_cast %add3A_492 : i32 to index
      %get3A_504 = arith.constant 16 : index
      %get3A_505 = tpu.vector_load %arg11[%get3A_503, %get3A_504] {strides = array<i32>} : memref<512x64xf32, #tpu.memory_space<vmem>>, vector<16xf32>,
      %mul3A_506 = arith.mulf %get3A_502, %get3A_505 : vector<16xf32>
      %add3A_507 = arith.addf %mul3A_499, %mul3A_506 : vector<16xf32>
      %get3A_508 = arith.index_cast %add3A_492 : i32 to index
      %get3A_509 = arith.constant 32 : index
      %get3A_510 = tpu.vector_load %arg10[%get3A_508, %get3A_509] {strides = array<i32>} : memref<512x64xf32, #tpu.memory_space<vmem>>, vector<16xf32>,
      %get3A_511 = arith.index_cast %add3A_492 : i32 to index
      %get3A_512 = arith.constant 32 : index
      %get3A_513 = tpu.vector_load %arg11[%get3A_511, %get3A_512] {strides = array<i32>} : memref<512x64xf32, #tpu.memory_space<vmem>>, vector<16xf32>,
      %mul3A_514 = arith.mulf %get3A_510, %get3A_513 : vector<16xf32>
      %add3A_515 = arith.addf %add3A_507, %mul3A_514 : vector<16xf32>
      %get3A_516 = arith.index_cast %add3A_492 : i32 to index
      %get3A_517 = arith.constant 48 : index
      %get3A_518 = tpu.vector_load %arg10[%get3A_516, %get3A_517] {strides = array<i32>} : memref<512x64xf32, #tpu.memory_space<vmem>>, vector<16xf32>,
      %get3A_519 = arith.index_cast %add3A_492 : i32 to index
      %get3A_520 = arith.constant 48 : index
      %get3A_521 = tpu.vector_load %arg11[%get3A_519, %get3A_520] {strides = array<i32>} : memref<512x64xf32, #tpu.memory_space<vmem>>, vector<16xf32>,
      %mul3A_522 = arith.mulf %get3A_518, %get3A_521 : vector<16xf32>
      %add3A_523 = arith.addf %add3A_515, %mul3A_522 : vector<16xf32>
      %swap3A_524 = arith.constant 12 : i32
      %swap3A_525 = arith.index_cast %swap3A_524 : i32 to index
      %swap3A_526 = arith.constant 0 : index
      %swap3A_527 = tpu.vector_load %arg12[%swap3A_525, %swap3A_526] {strides = array<i32>} : memref<16x16xf32, #tpu.memory_space<vmem>>, vector<16xf32>,
      tpu.vector_store %arg12[%swap3A_525, %swap3A_526], %add3A_523 {strides = array<i32>} : memref<16x16xf32, #tpu.memory_space<vmem>>, vector<16xf32>,
      %mul3A_528 = arith.constant 16 : i32
      %mul3A_529 = arith.muli %scan3A_20, %mul3A_528 : i32
      %add3A_530 = arith.constant 13 : i32
      %add3A_531 = arith.addi %mul3A_529, %add3A_530 : i32
      %get3A_532 = arith.index_cast %add3A_531 : i32 to index
      %get3A_533 = arith.constant 0 : index
      %get3A_534 = tpu.vector_load %arg10[%get3A_532, %get3A_533] {strides = array<i32>} : memref<512x64xf32, #tpu.memory_space<vmem>>, vector<16xf32>,
      %get3A_535 = arith.index_cast %add3A_531 : i32 to index
      %get3A_536 = arith.constant 0 : index
      %get3A_537 = tpu.vector_load %arg11[%get3A_535, %get3A_536] {strides = array<i32>} : memref<512x64xf32, #tpu.memory_space<vmem>>, vector<16xf32>,
      %mul3A_538 = arith.mulf %get3A_534, %get3A_537 : vector<16xf32>
      %get3A_539 = arith.index_cast %add3A_531 : i32 to index
      %get3A_540 = arith.constant 16 : index
      %get3A_541 = tpu.vector_load %arg10[%get3A_539, %get3A_540] {strides = array<i32>} : memref<512x64xf32, #tpu.memory_space<vmem>>, vector<16xf32>,
      %get3A_542 = arith.index_cast %add3A_531 : i32 to index
      %get3A_543 = arith.constant 16 : index
      %get3A_544 = tpu.vector_load %arg11[%get3A_542, %get3A_543] {strides = array<i32>} : memref<512x64xf32, #tpu.memory_space<vmem>>, vector<16xf32>,
      %mul3A_545 = arith.mulf %get3A_541, %get3A_544 : vector<16xf32>
      %add3A_546 = arith.addf %mul3A_538, %mul3A_545 : vector<16xf32>
      %get3A_547 = arith.index_cast %add3A_531 : i32 to index
      %get3A_548 = arith.constant 32 : index
      %get3A_549 = tpu.vector_load %arg10[%get3A_547, %get3A_548] {strides = array<i32>} : memref<512x64xf32, #tpu.memory_space<vmem>>, vector<16xf32>,
      %get3A_550 = arith.index_cast %add3A_531 : i32 to index
      %get3A_551 = arith.constant 32 : index
      %get3A_552 = tpu.vector_load %arg11[%get3A_550, %get3A_551] {strides = array<i32>} : memref<512x64xf32, #tpu.memory_space<vmem>>, vector<16xf32>,
      %mul3A_553 = arith.mulf %get3A_549, %get3A_552 : vector<16xf32>
      %add3A_554 = arith.addf %add3A_546, %mul3A_553 : vector<16xf32>
      %get3A_555 = arith.index_cast %add3A_531 : i32 to index
      %get3A_556 = arith.constant 48 : index
      %get3A_557 = tpu.vector_load %arg10[%get3A_555, %get3A_556] {strides = array<i32>} : memref<512x64xf32, #tpu.memory_space<vmem>>, vector<16xf32>,
      %get3A_558 = arith.index_cast %add3A_531 : i32 to index
      %get3A_559 = arith.constant 48 : index
      %get3A_560 = tpu.vector_load %arg11[%get3A_558, %get3A_559] {strides = array<i32>} : memref<512x64xf32, #tpu.memory_space<vmem>>, vector<16xf32>,
      %mul3A_561 = arith.mulf %get3A_557, %get3A_560 : vector<16xf32>
      %add3A_562 = arith.addf %add3A_554, %mul3A_561 : vector<16xf32>
      %swap3A_563 = arith.constant 13 : i32
      %swap3A_564 = arith.index_cast %swap3A_563 : i32 to index
      %swap3A_565 = arith.constant 0 : index
      %swap3A_566 = tpu.vector_load %arg12[%swap3A_564, %swap3A_565] {strides = array<i32>} : memref<16x16xf32, #tpu.memory_space<vmem>>, vector<16xf32>,
      tpu.vector_store %arg12[%swap3A_564, %swap3A_565], %add3A_562 {strides = array<i32>} : memref<16x16xf32, #tpu.memory_space<vmem>>, vector<16xf32>,
      %mul3A_567 = arith.constant 16 : i32
      %mul3A_568 = arith.muli %scan3A_20, %mul3A_567 : i32
      %add3A_569 = arith.constant 14 : i32
      %add3A_570 = arith.addi %mul3A_568, %add3A_569 : i32
      %get3A_571 = arith.index_cast %add3A_570 : i32 to index
      %get3A_572 = arith.constant 0 : index
      %get3A_573 = tpu.vector_load %arg10[%get3A_571, %get3A_572] {strides = array<i32>} : memref<512x64xf32, #tpu.memory_space<vmem>>, vector<16xf32>,
      %get3A_574 = arith.index_cast %add3A_570 : i32 to index
      %get3A_575 = arith.constant 0 : index
      %get3A_576 = tpu.vector_load %arg11[%get3A_574, %get3A_575] {strides = array<i32>} : memref<512x64xf32, #tpu.memory_space<vmem>>, vector<16xf32>,
      %mul3A_577 = arith.mulf %get3A_573, %get3A_576 : vector<16xf32>
      %get3A_578 = arith.index_cast %add3A_570 : i32 to index
      %get3A_579 = arith.constant 16 : index
      %get3A_580 = tpu.vector_load %arg10[%get3A_578, %get3A_579] {strides = array<i32>} : memref<512x64xf32, #tpu.memory_space<vmem>>, vector<16xf32>,
      %get3A_581 = arith.index_cast %add3A_570 : i32 to index
      %get3A_582 = arith.constant 16 : index
      %get3A_583 = tpu.vector_load %arg11[%get3A_581, %get3A_582] {strides = array<i32>} : memref<512x64xf32, #tpu.memory_space<vmem>>, vector<16xf32>,
      %mul3A_584 = arith.mulf %get3A_580, %get3A_583 : vector<16xf32>
      %add3A_585 = arith.addf %mul3A_577, %mul3A_584 : vector<16xf32>
      %get3A_586 = arith.index_cast %add3A_570 : i32 to index
      %get3A_587 = arith.constant 32 : index
      %get3A_588 = tpu.vector_load %arg10[%get3A_586, %get3A_587] {strides = array<i32>} : memref<512x64xf32, #tpu.memory_space<vmem>>, vector<16xf32>,
      %get3A_589 = arith.index_cast %add3A_570 : i32 to index
      %get3A_590 = arith.constant 32 : index
      %get3A_591 = tpu.vector_load %arg11[%get3A_589, %get3A_590] {strides = array<i32>} : memref<512x64xf32, #tpu.memory_space<vmem>>, vector<16xf32>,
      %mul3A_592 = arith.mulf %get3A_588, %get3A_591 : vector<16xf32>
      %add3A_593 = arith.addf %add3A_585, %mul3A_592 : vector<16xf32>
      %get3A_594 = arith.index_cast %add3A_570 : i32 to index
      %get3A_595 = arith.constant 48 : index
      %get3A_596 = tpu.vector_load %arg10[%get3A_594, %get3A_595] {strides = array<i32>} : memref<512x64xf32, #tpu.memory_space<vmem>>, vector<16xf32>,
      %get3A_597 = arith.index_cast %add3A_570 : i32 to index
      %get3A_598 = arith.constant 48 : index
      %get3A_599 = tpu.vector_load %arg11[%get3A_597, %get3A_598] {strides = array<i32>} : memref<512x64xf32, #tpu.memory_space<vmem>>, vector<16xf32>,
      %mul3A_600 = arith.mulf %get3A_596, %get3A_599 : vector<16xf32>
      %add3A_601 = arith.addf %add3A_593, %mul3A_600 : vector<16xf32>
      %swap3A_602 = arith.constant 14 : i32
      %swap3A_603 = arith.index_cast %swap3A_602 : i32 to index
      %swap3A_604 = arith.constant 0 : index
      %swap3A_605 = tpu.vector_load %arg12[%swap3A_603, %swap3A_604] {strides = array<i32>} : memref<16x16xf32, #tpu.memory_space<vmem>>, vector<16xf32>,
      tpu.vector_store %arg12[%swap3A_603, %swap3A_604], %add3A_601 {strides = array<i32>} : memref<16x16xf32, #tpu.memory_space<vmem>>, vector<16xf32>,
      %mul3A_606 = arith.constant 16 : i32
      %mul3A_607 = arith.muli %scan3A_20, %mul3A_606 : i32
      %add3A_608 = arith.constant 15 : i32
      %add3A_609 = arith.addi %mul3A_607, %add3A_608 : i32
      %get3A_610 = arith.index_cast %add3A_609 : i32 to index
      %get3A_611 = arith.constant 0 : index
      %get3A_612 = tpu.vector_load %arg10[%get3A_610, %get3A_611] {strides = array<i32>} : memref<512x64xf32, #tpu.memory_space<vmem>>, vector<16xf32>,
      %get3A_613 = arith.index_cast %add3A_609 : i32 to index
      %get3A_614 = arith.constant 0 : index
      %get3A_615 = tpu.vector_load %arg11[%get3A_613, %get3A_614] {strides = array<i32>} : memref<512x64xf32, #tpu.memory_space<vmem>>, vector<16xf32>,
      %mul3A_616 = arith.mulf %get3A_612, %get3A_615 : vector<16xf32>
      %get3A_617 = arith.index_cast %add3A_609 : i32 to index
      %get3A_618 = arith.constant 16 : index
      %get3A_619 = tpu.vector_load %arg10[%get3A_617, %get3A_618] {strides = array<i32>} : memref<512x64xf32, #tpu.memory_space<vmem>>, vector<16xf32>,
      %get3A_620 = arith.index_cast %add3A_609 : i32 to index
      %get3A_621 = arith.constant 16 : index
      %get3A_622 = tpu.vector_load %arg11[%get3A_620, %get3A_621] {strides = array<i32>} : memref<512x64xf32, #tpu.memory_space<vmem>>, vector<16xf32>,
      %mul3A_623 = arith.mulf %get3A_619, %get3A_622 : vector<16xf32>
      %add3A_624 = arith.addf %mul3A_616, %mul3A_623 : vector<16xf32>
      %get3A_625 = arith.index_cast %add3A_609 : i32 to index
      %get3A_626 = arith.constant 32 : index
      %get3A_627 = tpu.vector_load %arg10[%get3A_625, %get3A_626] {strides = array<i32>} : memref<512x64xf32, #tpu.memory_space<vmem>>, vector<16xf32>,
      %get3A_628 = arith.index_cast %add3A_609 : i32 to index
      %get3A_629 = arith.constant 32 : index
      %get3A_630 = tpu.vector_load %arg11[%get3A_628, %get3A_629] {strides = array<i32>} : memref<512x64xf32, #tpu.memory_space<vmem>>, vector<16xf32>,
      %mul3A_631 = arith.mulf %get3A_627, %get3A_630 : vector<16xf32>
      %add3A_632 = arith.addf %add3A_624, %mul3A_631 : vector<16xf32>
      %get3A_633 = arith.index_cast %add3A_609 : i32 to index
      %get3A_634 = arith.constant 48 : index
      %get3A_635 = tpu.vector_load %arg10[%get3A_633, %get3A_634] {strides = array<i32>} : memref<512x64xf32, #tpu.memory_space<vmem>>, vector<16xf32>,
      %get3A_636 = arith.index_cast %add3A_609 : i32 to index
      %get3A_637 = arith.constant 48 : index
      %get3A_638 = tpu.vector_load %arg11[%get3A_636, %get3A_637] {strides = array<i32>} : memref<512x64xf32, #tpu.memory_space<vmem>>, vector<16xf32>,
      %mul3A_639 = arith.mulf %get3A_635, %get3A_638 : vector<16xf32>
      %add3A_640 = arith.addf %add3A_632, %mul3A_639 : vector<16xf32>
      %swap3A_641 = arith.constant 15 : i32
      %swap3A_642 = arith.index_cast %swap3A_641 : i32 to index
      %swap3A_643 = arith.constant 0 : index
      %swap3A_644 = tpu.vector_load %arg12[%swap3A_642, %swap3A_643] {strides = array<i32>} : memref<16x16xf32, #tpu.memory_space<vmem>>, vector<16xf32>,
      tpu.vector_store %arg12[%swap3A_642, %swap3A_643], %add3A_640 {strides = array<i32>} : memref<16x16xf32, #tpu.memory_space<vmem>>, vector<16xf32>,
      %broadcast_in_dim3A = arith.constant 0 : i32
      %broadcast_in_dim3A_645 = vector.broadcast %broadcast_in_dim3A : i32 to vector<16xi32>
      %gather3A = tpu.vector_load_idx %arg12[%iota3A, %broadcast_in_dim3A_645] : memref<16x16xf32, #tpu.memory_space<vmem>>[vector<16xi32>, vector<16xi32>], vector<16xf32>,
      %add3A_646 = arith.addf %get3A_13, %gather3A : vector<16xf32>
      %broadcast_in_dim3A_647 = arith.constant 1 : i32
      %broadcast_in_dim3A_648 = vector.broadcast %broadcast_in_dim3A_647 : i32 to vector<16xi32>
      %gather3A_649 = tpu.vector_load_idx %arg12[%iota3A, %broadcast_in_dim3A_648] : memref<16x16xf32, #tpu.memory_space<vmem>>[vector<16xi32>, vector<16xi32>], vector<16xf32>,
      %add3A_650 = arith.addf %add3A_646, %gather3A_649 : vector<16xf32>
      %broadcast_in_dim3A_651 = arith.constant 2 : i32
      %broadcast_in_dim3A_652 = vector.broadcast %broadcast_in_dim3A_651 : i32 to vector<16xi32>
      %gather3A_653 = tpu.vector_load_idx %arg12[%iota3A, %broadcast_in_dim3A_652] : memref<16x16xf32, #tpu.memory_space<vmem>>[vector<16xi32>, vector<16xi32>], vector<16xf32>,
      %add3A_654 = arith.addf %add3A_650, %gather3A_653 : vector<16xf32>
      %broadcast_in_dim3A_655 = arith.constant 3 : i32
      %broadcast_in_dim3A_656 = vector.broadcast %broadcast_in_dim3A_655 : i32 to vector<16xi32>
      %gather3A_657 = tpu.vector_load_idx %arg12[%iota3A, %broadcast_in_dim3A_656] : memref<16x16xf32, #tpu.memory_space<vmem>>[vector<16xi32>, vector<16xi32>], vector<16xf32>,
      %add3A_658 = arith.addf %add3A_654, %gather3A_657 : vector<16xf32>
      %broadcast_in_dim3A_659 = arith.constant 4 : i32
      %broadcast_in_dim3A_660 = vector.broadcast %broadcast_in_dim3A_659 : i32 to vector<16xi32>
      %gather3A_661 = tpu.vector_load_idx %arg12[%iota3A, %broadcast_in_dim3A_660] : memref<16x16xf32, #tpu.memory_space<vmem>>[vector<16xi32>, vector<16xi32>], vector<16xf32>,
      %add3A_662 = arith.addf %add3A_658, %gather3A_661 : vector<16xf32>
      %broadcast_in_dim3A_663 = arith.constant 5 : i32
      %broadcast_in_dim3A_664 = vector.broadcast %broadcast_in_dim3A_663 : i32 to vector<16xi32>
      %gather3A_665 = tpu.vector_load_idx %arg12[%iota3A, %broadcast_in_dim3A_664] : memref<16x16xf32, #tpu.memory_space<vmem>>[vector<16xi32>, vector<16xi32>], vector<16xf32>,
      %add3A_666 = arith.addf %add3A_662, %gather3A_665 : vector<16xf32>
      %broadcast_in_dim3A_667 = arith.constant 6 : i32
      %broadcast_in_dim3A_668 = vector.broadcast %broadcast_in_dim3A_667 : i32 to vector<16xi32>
      %gather3A_669 = tpu.vector_load_idx %arg12[%iota3A, %broadcast_in_dim3A_668] : memref<16x16xf32, #tpu.memory_space<vmem>>[vector<16xi32>, vector<16xi32>], vector<16xf32>,
      %add3A_670 = arith.addf %add3A_666, %gather3A_669 : vector<16xf32>
      %broadcast_in_dim3A_671 = arith.constant 7 : i32
      %broadcast_in_dim3A_672 = vector.broadcast %broadcast_in_dim3A_671 : i32 to vector<16xi32>
      %gather3A_673 = tpu.vector_load_idx %arg12[%iota3A, %broadcast_in_dim3A_672] : memref<16x16xf32, #tpu.memory_space<vmem>>[vector<16xi32>, vector<16xi32>], vector<16xf32>,
      %add3A_674 = arith.addf %add3A_670, %gather3A_673 : vector<16xf32>
      %broadcast_in_dim3A_675 = arith.constant 8 : i32
      %broadcast_in_dim3A_676 = vector.broadcast %broadcast_in_dim3A_675 : i32 to vector<16xi32>
      %gather3A_677 = tpu.vector_load_idx %arg12[%iota3A, %broadcast_in_dim3A_676] : memref<16x16xf32, #tpu.memory_space<vmem>>[vector<16xi32>, vector<16xi32>], vector<16xf32>,
      %add3A_678 = arith.addf %add3A_674, %gather3A_677 : vector<16xf32>
      %broadcast_in_dim3A_679 = arith.constant 9 : i32
      %broadcast_in_dim3A_680 = vector.broadcast %broadcast_in_dim3A_679 : i32 to vector<16xi32>
      %gather3A_681 = tpu.vector_load_idx %arg12[%iota3A, %broadcast_in_dim3A_680] : memref<16x16xf32, #tpu.memory_space<vmem>>[vector<16xi32>, vector<16xi32>], vector<16xf32>,
      %add3A_682 = arith.addf %add3A_678, %gather3A_681 : vector<16xf32>
      %broadcast_in_dim3A_683 = arith.constant 10 : i32
      %broadcast_in_dim3A_684 = vector.broadcast %broadcast_in_dim3A_683 : i32 to vector<16xi32>
      %gather3A_685 = tpu.vector_load_idx %arg12[%iota3A, %broadcast_in_dim3A_684] : memref<16x16xf32, #tpu.memory_space<vmem>>[vector<16xi32>, vector<16xi32>], vector<16xf32>,
      %add3A_686 = arith.addf %add3A_682, %gather3A_685 : vector<16xf32>
      %broadcast_in_dim3A_687 = arith.constant 11 : i32
      %broadcast_in_dim3A_688 = vector.broadcast %broadcast_in_dim3A_687 : i32 to vector<16xi32>
      %gather3A_689 = tpu.vector_load_idx %arg12[%iota3A, %broadcast_in_dim3A_688] : memref<16x16xf32, #tpu.memory_space<vmem>>[vector<16xi32>, vector<16xi32>], vector<16xf32>,
      %add3A_690 = arith.addf %add3A_686, %gather3A_689 : vector<16xf32>
      %broadcast_in_dim3A_691 = arith.constant 12 : i32
      %broadcast_in_dim3A_692 = vector.broadcast %broadcast_in_dim3A_691 : i32 to vector<16xi32>
      %gather3A_693 = tpu.vector_load_idx %arg12[%iota3A, %broadcast_in_dim3A_692] : memref<16x16xf32, #tpu.memory_space<vmem>>[vector<16xi32>, vector<16xi32>], vector<16xf32>,
      %add3A_694 = arith.addf %add3A_690, %gather3A_693 : vector<16xf32>
      %broadcast_in_dim3A_695 = arith.constant 13 : i32
      %broadcast_in_dim3A_696 = vector.broadcast %broadcast_in_dim3A_695 : i32 to vector<16xi32>
      %gather3A_697 = tpu.vector_load_idx %arg12[%iota3A, %broadcast_in_dim3A_696] : memref<16x16xf32, #tpu.memory_space<vmem>>[vector<16xi32>, vector<16xi32>], vector<16xf32>,
      %add3A_698 = arith.addf %add3A_694, %gather3A_697 : vector<16xf32>
      %broadcast_in_dim3A_699 = arith.constant 14 : i32
      %broadcast_in_dim3A_700 = vector.broadcast %broadcast_in_dim3A_699 : i32 to vector<16xi32>
      %gather3A_701 = tpu.vector_load_idx %arg12[%iota3A, %broadcast_in_dim3A_700] : memref<16x16xf32, #tpu.memory_space<vmem>>[vector<16xi32>, vector<16xi32>], vector<16xf32>,
      %add3A_702 = arith.addf %add3A_698, %gather3A_701 : vector<16xf32>
      %broadcast_in_dim3A_703 = arith.constant 15 : i32
      %broadcast_in_dim3A_704 = vector.broadcast %broadcast_in_dim3A_703 : i32 to vector<16xi32>
      %gather3A_705 = tpu.vector_load_idx %arg12[%iota3A, %broadcast_in_dim3A_704] : memref<16x16xf32, #tpu.memory_space<vmem>>[vector<16xi32>, vector<16xi32>], vector<16xf32>,
      %add3A_706 = arith.addf %add3A_702, %gather3A_705 : vector<16xf32>
      %mul3A_707 = arith.constant 16 : i32
      %mul3A_708 = arith.muli %scan3A_20, %mul3A_707 : i32
      %swap3A_709 = arith.index_cast %mul3A_708 : i32 to index
      %swap3A_710 = tpu.vector_load %arg13[%swap3A_709] {strides = array<i32>} : memref<512xf32, #tpu.memory_space<vmem>>, vector<16xf32>,
      tpu.vector_store %arg13[%swap3A_709], %add3A_706 {strides = array<i32>} : memref<512xf32, #tpu.memory_space<vmem>>, vector<16xf32>,
      %scan3A_711 = arith.constant 0 : i32
      scf.yield %scan3A_711 : i32
    }
    %scan3A_19 = arith.constant 32 : i32
    "tpu.region"() ({
      %run_scoped3A = tpu.sem_alloc : memref<!tpu.dma_semaphore, #tpu.memory_space<semaphore_mem>>
      %dma_start3A_20 = tpu.memref_slice %arg7[%mul3A_2] : memref<16384xf32, #tpu.memory_space<hbm>> -> memref<512xf32, #tpu.memory_space<hbm>>
      %dma_start3A_21 = tpu.memref_slice %arg7[%mul3A_2] : memref<16384xf32, #tpu.memory_space<hbm>> -> memref<512xf32, #tpu.memory_space<hbm>>
      tpu.enqueue_dma source(%arg13 : memref<512xf32, #tpu.memory_space<vmem>>) target(%dma_start3A_21 : memref<512xf32, #tpu.memory_space<hbm>>) target_semaphore(%run_scoped3A : memref<!tpu.dma_semaphore, #tpu.memory_space<semaphore_mem>>)
      %dma_wait3A_22 = tpu.memref_slice %arg7[%mul3A_2] : memref<16384xf32, #tpu.memory_space<hbm>> -> memref<512xf32, #tpu.memory_space<hbm>>
      %dma_wait3A_23 = tpu.memref_slice %arg7[%mul3A_2] : memref<16384xf32, #tpu.memory_space<hbm>> -> memref<512xf32, #tpu.memory_space<hbm>>
      tpu.wait_dma2 semaphore(%run_scoped3A : memref<!tpu.dma_semaphore, #tpu.memory_space<semaphore_mem>>) src(%arg13 : memref<512xf32, #tpu.memory_space<vmem>>) dst(%dma_wait3A_23 : memref<512xf32, #tpu.memory_space<hbm>>)
      tpu.yield
    }) : () -> ()
    return
  }
}

</mosaic_0001>

<sc_bundles>
// kernel: kernel.3.cloned.1.call-start
scs
__scs_entry_jumppad:
0x0: {  	(pc) =	sbr.rel $0x88, $3  }
0x1: {  	(tag) =	ssettag $0x0;
	lr =	simm.s32 $0x1  }
0x2: {  	[smem:$0x3F9C] =	sst lr;
	_ =	strace $0xD0000000  }
0x3: {  	_ = 	snop  }
0x4: {  	_ = 	snop  }
0x5: {  	_ = 	snop  }
0x6: {  	_ = 	snop  }
0x7: {  	_ = 	snop  }
__scs_overlays_trampoline_lowered:
0x8: {  	[smem:$0x3FAB] =	sst s0  }
0x9: {  	[smem:$0x3FAC] =	sst s1  }
0xa: {  	[smem:$0x3FAD] =	sst s2  }
0xb: {  	[smem:$0x3FAE] =	sst s3  }
0xc: {  	[smem:$0x3FAF] =	sst s4  }
0xd: {  	[smem:$0x3FB0] =	sst s5  }
0xe: {  	[smem:$0x3FB1] =	sst s6  }
0xf: {  	[smem:$0x3FB2] =	sst s7  }
0x10: {  	[smem:$0x3FB3] =	sst s8  }
0x11: {  	[smem:$0x3FB4] =	sst s9;
	s0 =	simm.s32 @!p0 $0x0  }
0x12: {  	s1 =	sld [smem:$0x3F9A];
	s0 =	simm.s32 @p0 $0x1  }
0x13: {  	[smem:$0x3FB5] =	sst s0;
	s0 =	simm.s32 @!p1 $0x0  }
0x14: {  	s2 =	sld [smem:$0x3F99];
	s0 =	simm.s32 @p1 $0x1  }
0x15: {  	[smem:$0x3FB6] =	sst s0;
	s0 =	simm.s32 @!p2 $0x0  }
0x16: {  	s3 =	sld [smem:$0x3FDB];
	s0 =	simm.s32 @p2 $0x1  }
0x17: {  	s4 =	simm.s32 $0x1BF5;
	[smem:$0x3FB8] =	sst s0  }
0x18: {  	s0 =	sld [smem:$0x3F9B];
	_ =	swait.ge [sflag:s4], $0x0  }
0x19: {  	s7 =	sld [smem:$0x3F9C]  }
0x1a: {  	s8 =	sadd.s32 $0xFFFFE003, lr  }
0x1b: {  	s9 =	sadd.s32 $0xFFFFFEF7, lr;
	s5 =	simm.s32 $0xFFFFFFFF;
	p2 =	slt.u32 s8, $0xFFFFF086  }
0x1c: {  	p1 =	slt.u32 s9, $0xF7A;
	s5 =	simm.s32 @!p2 $0x0  }
0x1d: {  	s5 =	simm.s32 @p1 $0x1;
	p0 =	seq.s32 s7, s2  }
0x1e: {  	s7 =	smul.u32 @!p0 $0xF7A, s2;
	p2 =	seq.s32 @!p0 s5, $0x0  }
0x1f: {  	s9 =	smul.u32 $0xF7A, s1;
	s8 =	simm.s32 @!p0 $0x1BF5;
	p2 =	por !p2, p0  }
0x20: {  	[sflag:s8] =	ssyncset.s32 @!p0 $0xFFFFF086;
	s6 =	sadd.s32 @!p0 s3, s7;
	s7 =	simm.s32 @!p0 $0x108  }
0x21: {  	s3 =	sadd.s32 s3, s9;
	s6 =	sadd.s32 @!p0 $0x88, s6;
	s7 =	simm.s32 @p2 $0x1082  }
0x22: {  	[simem:s7], [sflag:s8] =	dma.local @!p0 [hbm:s6], $0xF7A  }
0x23: {  	s9 =	sor.u32 $0xD0000000, s2;
	s6 =	simm.s32 $0x108;
	_ =	swait.ge @!p0 [sflag:s8], $0x0  }
0x24: {  	s3 =	sadd.s32 $0x88, s3;
	s6 =	simm.s32 @!p1 $0x1082;
	[sflag:s4] =	ssyncset.s32 $0xFFFFF086  }
0x25: {  	[simem:s6], [sflag:s4] =	dma.local [hbm:s3], $0xF7A  }
0x26: {  	[smem:$0x3F9C] =	sst s1;
	(tag) =	ssettag s2;
	_ =	strace s9  }
0x27: {  	s1 =	sld [smem:$0x3FAC]  }
0x28: {  	s2 =	sld [smem:$0x3FAD]  }
0x29: {  	s4 =	sld [smem:$0x3FAF]  }
0x2a: {  	p0 =	seq.s32 s5, $0x0;
	s5 =	sld [smem:$0x3FB0]  }
0x2b: {  	s6 =	sld [smem:$0x3FB1]  }
0x2c: {  	s7 =	sld [smem:$0x3FB2]  }
0x2d: {  	s3 =	simm.s32 $0x108;
	s8 =	sld [smem:$0x3FB3]  }
0x2e: {  	s3 =	simm.s32 @!p0 $0x1082;
	s9 =	sld [smem:$0x3FB4]  }
0x2f: {  	lr =	sadd.s32 s0, s3;
	s0 =	sld [smem:$0x3FAB]  }
0x30: {  	s3 =	sld [smem:$0x3FAE]  }
0x31: {  	[smem:$0x3FB7] =	sst s10  }
0x32: {  	s10 =	sld [smem:$0x3FB5];
	_ =	sdelay $0x3  }
0x33: {  	p0 =	seq.s32 s10, $0x1;
	s10 =	sld [smem:$0x3FB7];
	_ =	sdelay $0x3  }
0x34: {  	[smem:$0x3FB7] =	sst s10  }
0x35: {  	s10 =	sld [smem:$0x3FB6];
	_ =	sdelay $0x3  }
0x36: {  	p1 =	seq.s32 s10, $0x1;
	s10 =	sld [smem:$0x3FB7];
	_ =	sdelay $0x3  }
0x37: {  	[smem:$0x3FB7] =	sst s10  }
0x38: {  	s10 =	sld [smem:$0x3FB8]  }
0x39: {  	_ = 	snop;
	(pc) =	sbr.ind lr, $3  }
0x3a: {  	_ = 	snop  }
0x3b: {  	_ = 	snop  }
0x3c: {  	p2 =	seq.s32 s10, $0x1;
	s10 =	sld [smem:$0x3FB7]  }
0x3d: {  	_ =	shalt  }
0x3e: {  	_ =	shalt  }
0x3f: {  	_ =	shalt  }
0x40: {  	_ =	shalt  }
0x41: {  	_ =	shalt  }
0x42: {  	_ =	shalt  }
0x43: {  	_ =	shalt  }
0x44: {  	_ =	shalt  }
0x45: {  	_ =	shalt  }
0x46: {  	_ =	shalt  }
0x47: {  	_ =	shalt  }
0x48: {  	_ =	shalt  }
0x49: {  	_ =	shalt  }
0x4a: {  	_ =	shalt  }
0x4b: {  	_ =	shalt  }
0x4c: {  	_ =	shalt  }
0x4d: {  	_ =	shalt  }
0x4e: {  	_ =	shalt  }
0x4f: {  	_ =	shalt  }
0x50: {  	_ =	shalt  }
0x51: {  	_ =	shalt  }
0x52: {  	_ =	shalt  }
0x53: {  	_ =	shalt  }
0x54: {  	_ =	shalt  }
0x55: {  	_ =	shalt  }
0x56: {  	_ =	shalt  }
0x57: {  	_ =	shalt  }
0x58: {  	_ =	shalt  }
0x59: {  	_ =	shalt  }
0x5a: {  	_ =	shalt  }
0x5b: {  	_ =	shalt  }
0x5c: {  	_ =	shalt  }
0x5d: {  	_ =	shalt  }
0x5e: {  	_ =	shalt  }
0x5f: {  	_ =	shalt  }
0x60: {  	_ =	shalt  }
0x61: {  	_ =	shalt  }
0x62: {  	_ =	shalt  }
0x63: {  	_ =	shalt  }
0x64: {  	_ =	shalt  }
0x65: {  	_ =	shalt  }
0x66: {  	_ =	shalt  }
0x67: {  	_ =	shalt  }
0x68: {  	_ =	shalt  }
0x69: {  	_ =	shalt  }
0x6a: {  	_ =	shalt  }
0x6b: {  	_ =	shalt  }
0x6c: {  	_ =	shalt  }
0x6d: {  	_ =	shalt  }
0x6e: {  	_ =	shalt  }
0x6f: {  	_ =	shalt  }
0x70: {  	_ =	shalt  }
0x71: {  	_ =	shalt  }
0x72: {  	_ =	shalt  }
0x73: {  	_ =	shalt  }
0x74: {  	_ =	shalt  }
0x75: {  	_ =	shalt  }
0x76: {  	_ =	shalt  }
0x77: {  	_ =	shalt  }
0x78: {  	_ =	shalt  }
0x79: {  	_ =	shalt  }
0x7a: {  	_ =	shalt  }
0x7b: {  	_ =	shalt  }
0x7c: {  	_ =	shalt  }
0x7d: {  	_ =	shalt  }
0x7e: {  	_ =	shalt  }
0x7f: {  	_ =	shalt  }
0x80: {  	_ =	shalt  }
0x81: {  	_ =	shalt  }
0x82: {  	_ =	shalt  }
0x83: {  	_ =	shalt  }
0x84: {  	_ =	shalt  }
0x85: {  	_ =	shalt  }
0x86: {  	_ =	shalt  }
0x87: {  	_ =	shalt  }
.Lfunc_end0:
.L_simem_size_0:
called_computation_lowered:
.L_overlay_start_0:
0x88: {  	s2 =	sld [smem:$0x3FD9]  }
0x89: {  	s3 =	sld [smem:$0x3FFE];
	_ =	sdelay $0x1  }
0x8a: {  	s1 =	srdreg.scid  }
0x8b: {  	s0 =	sand.u32 $0x1, s1  }
0x8c: {  	s17 =	sshll.u32 s0, $0xA;
	s2 =	sadd.s32 s3, s2  }
0x8d: {  	s2 =	sadd.s32 s2, s17  }
0x8e: {  	[smem:$0x3FC3] =	sst s2  }
0x8f: {  	_ = 	snop  }
0x90: {  	s2 =	sld [smem:$0x3FC9]  }
0x91: {  	s18 =	sld [smem:$0x3FC8]  }
0x92: {  	s4 =	sld [smem:$0x3FD0];
	(tm) =	ssettm $0x1  }
0x93: {  	s5 =	sld [smem:$0x3FFB];
	_ =	sdelay $0x3  }
0x94: {  	_ =	strace s5  }
0x95: {  	s5 =	sld [smem:$0x3FFC];
	_ =	sdelay $0x3  }
0x96: {  	_ =	strace s5  }
0x97: {  	s5 =	sld [smem:$0x3FFD];
	_ =	sdelay $0x3  }
0x98: {  	_ =	strace s5  }
0x99: {  	_ =	strace $0x8FFFFFFF  }
0x9a: {  	s19 =	sld [smem:$0x3FDB];
	_ =	sdelay $0x1  }
0x9b: {  	s6 =	simm.s32 $_scs_section_size  }
0x9c: {  	s7 =	simm.s32 $_size__tile_overlayer_lowered;
	s8 =	simm.s32 $_tile_overlayer_lowered  }
0x9d: {  	s22 =	simm.s32 $0x1BFF;
	s21 =	sshll.u32 s8, $0x1;
	s5 =	sadd.s32 s6, s19  }
0x9e: {  	s9 =	simm.s32 $0x0;
	s20 =	sshll.u32 s7, $0x1;
	s7 =	sadd.s32 s21, s5  }
0x9f: {  	[timem:s9], [sflag:s22] =	dma.local [hbm:s7], s20  }
0xa0: {  	_ =	swait.ge [sflag:s22], s20  }
0xa1: {  	s6 =	ssub.s32 $0x0, s20;
	[sflag:s22] =	ssyncset.done $0x0  }
0xa2: {  	[sflag:s22] =	ssyncadd.s32 s6;
	_ =	sdelay $0x1  }
0xa3: {  	s23 =	simm.s32 $0x1B8B  }
0xa4: {  	_ =	swait.ge [sflag:s23], $0x1  }
0xa5: {  	[sflag:s23] =	ssyncset.done $0x0  }
0xa6: {  	s25 =	simm.s32 $0x1B8E;
	s24 =	sld [smem:$0x3FFE];
	[sflag:s23] =	ssyncadd.s32 $0xFFFFFFFF  }
0xa7: {  	s26 =	simm.s32 $execute0_lowered;
	[smem:$0x3FD2] =	sst s25  }
0xa8: {  	s7 =	sshll.u32 s26, $0x1;
	_ =	strace $0x80000046;
	[dreg:$0x1] =	wrdreg $0xFFFFFFFF  }
0xa9: {  	s28 =	simm.s32 $_size_execute0_lowered;
	s5 =	sadd.s32 s5, s7;
	[dreg:$0x0] =	wrdreg $0x0  }
0xaa: {  	s7 =	sshll.u32 s28, $0x1;
	[dreg:$0x2] =	wrdreg s5  }
0xab: {  	[dreg:$0x3] =	wrdreg s7  }
0xac: {  	[dreg:$0x4] =	wrdreg $0xC0  }
0xad: {  	_ =	task [dreg:s9], $0x5FFFF  }
0xae: {  	[dreg:$0x1] =	wrdreg $0xFFFFFFFF  }
0xaf: {  	[dreg:$0x0] =	wrdreg $0x60  }
0xb0: {  	[dreg:$0x2] =	wrdreg s2  }
0xb1: {  	[dreg:$0x3] =	wrdreg s18  }
0xb2: {  	[dreg:$0x4] =	wrdreg s24  }
0xb3: {  	[dreg:$0x5] =	wrdreg s4  }
0xb4: {  	[dreg:$0x6] =	wrdreg $0x9  }
0xb5: {  	_ =	task.clear_ibuf [dreg:s9], $0x7FFFF;
	_ =	strace $0x90000046  }
0xb6: {  	s29 =	simm.s32 $0x9;
	_ =	strace $0x80000048  }
0xb7: {  	_ =	swait.ge [sflag:s29], $0x1  }
0xb8: {  	[sflag:s29] =	ssyncadd.s32 $0xFFFFFFFF  }
0xb9: {  	_ =	strace $0x90000048  }
0xba: {  	_ =	sfence  }
0xbb: {  	s30 =	sld [smem:$0x0];
	_ =	sdelay $0x2  }
0xbc: {  	s31 =	sshll.u32 s1, $0xD;
	s1 =	sshrl.u32 s1, $0x2  }
0xbd: {  	s3 =	sand.u32 $0x4000, s31;
	s1 =	sadd.s32 s1, s30  }
0xbe: {  	s0 =	sor.u32 s3, s0;
	s1 =	sshll.u32 s1, $0x11  }
0xbf: {  	s0 =	sor.u32 s1, s0  }
0xc0: {  	s0 =	sadd.s32 $0x8F2B, s0  }
0xc1: {  	[sflag:s0] =	ssyncadd.remote.s32 $0x1  }
0xc2: {  	_ =	sfence.sel $0xFFFF  }
0xc3: {  	[dreg:$0x0] =	wrdreg $0xFFFFFFFF;
	(pc) =	sbr.abs _section_cstart, $3  }
0xc4: {  	[dreg:$0x1] =	wrdreg $0xFFFFFFFF  }
0xc5: {  	_ =	task.clear_ibuf [dreg:s9], $0x2FFFF;
	_ =	strace $0x9FFFFFFF  }
0xc6: {  	(tm) =	ssettm $0x7FFFFFFF  }
0xc7: {  	_ =	shalt  }
tec
execute0_lowered:
.L_overlay_start_1:
0x0: {  	(tag) =	ssettag $0x1  }
0x1: {  	s6 =	rddreg [dreg:$0x0]  }
0x2: {  	s7 =	rddreg [dreg:$0x1]  }
0x3: {  	s5 =	rddreg [dreg:$0x2]  }
0x4: {  	s8 =	rddreg [dreg:$0x3]  }
0x5: {  	s0 =	rddreg [dreg:$0x4];
	s1 =	simm.s32 $0x0;
	s9 =	srdreg.scid  }
0x6: {  	s2 =	stileid.u32;
	s13 =	simm.s32 $0x400;
	s14 =	simm.s32 $0x8400  }
0x7: {  	v0 =	vlaneseq.u32;
	s15 =	simm.s32 $0x1;
	s16 =	simm.s32 $0x2;
	s17 =	simm.s32 $0x10400  }
0x8: {  	s18 =	simm.s32 $0x10500;
	s19 =	simm.s32 $0x0;
	[smem:$0x7FF] =	sst s1;
	v0 =	vmul.u32 $0x10, v0  }
0x9: {  	s3 =	sadd.s32 $0x24C000, s5;
	s4 =	sadd.s32 $0x188A00, s5;
	s9 =	sand.u32 $0x1, s9  }
0xa: {  	s11 =	sshll.u32 s2, $0x7;
	s5 =	sadd.s32 $0x2000, s5;
	s10 =	ssub.s32 $0x2, s9;
	v1 =	vor.u32 $0x1, v0;
	v2 =	vor.u32 $0x2, v0;
	v3 =	vor.u32 $0x3, v0  }
0xb: {  	_ =	strace $0x80000047;
	s9 =	sshll.u32 s9, $0x6;
	s12 =	sshrl.u32 s10, $0x1;
	v4 =	vor.u32 $0x4, v0;
	v5 =	vor.u32 $0x5, v0;
	v6 =	vor.u32 $0x6, v0  }
0xc: {  	s9 =	sor.u32 s9, s11;
	s11 =	simm.s32 $0x200;
	v7 =	vor.u32 $0x7, v0;
	v8 =	vor.u32 $0x8, v0;
	v9 =	vor.u32 $0x9, v0;
	s10 =	ssub.s32 s10, s12  }
0xd: {  	v10 =	vor.u32 $0xA, v0;
	v11 =	vor.u32 $0xB, v0;
	v12 =	vor.u32 $0xC, v0;
	s6 =	sadd.s32 s6, s9;
	s7 =	sadd.s32 s7, s9;
	s8 =	sadd.s32 s8, s9  }
0xe: {  	v13 =	vor.u32 $0xD, v0;
	v14 =	vor.u32 $0xE, v0;
	v15 =	vor.u32 $0xF, v0;
	s12 =	simm.s32 $0x10700;
	s9 =	smax.u32 s10, $0x1;
	s10 =	simm.s32 $0x3  }
.LBB2_1:
0xf: {  	[tilespmem:s1], [sflag:$0x3] =	stream.linear.gather [hbm4b:s6+s1], $0x200, $0x38;
	[tilespmem:$0x10710] =	vst v63  }
0x10: {  	_ =	swait.ge [sflag:s10], $0x200  }
0x11: {  	[sflag:s10] =	ssyncset.done $0x0  }
0x12: {  	[sflag:s10] =	ssyncadd.s32 $0xFFFFFE00  }
0x13: {  	[tilespmem:s11], [sflag:$0x3] =	stream.linear.gather [hbm4b:s7+s1], $0x200, $0x38;
	[tilespmem:$0x10710] =	vst v63  }
0x14: {  	_ =	swait.ge [sflag:s10], $0x200  }
0x15: {  	[sflag:s10] =	ssyncset.done $0x0  }
0x16: {  	[sflag:s10] =	ssyncadd.s32 $0xFFFFFE00  }
0x17: {  	[tilespmem:s12], [sflag:$0x3] =	stream.linear.gather [hbm4b:s5+s1], $0x10, $0x38;
	[tilespmem:$0x10710] =	vst v63  }
0x18: {  	_ =	swait.ge [sflag:s10], $0x10  }
0x19: {  	[sflag:s10] =	ssyncset.done $0x0  }
0x1a: {  	[sflag:s10] =	ssyncadd.s32 $0xFFFFFFF0  }
0x1b: {  	[tilespmem:s13], [sflag:$0x1] =	stream.indirect.gather [hbm4b:s3+s11], $0x40, s1, s11, $0xb8;
	[tilespmem:$0x10710] =	vst v63  }
0x1c: {  	_ = 	snop  }
0x1d: {  	[tilespmem:s14], [sflag:$0x2] =	stream.indirect.gather [hbm4b:s4+s11], $0x40, s11, s11, $0xb8;
	[tilespmem:$0x10710] =	vst v63  }
0x1e: {  	_ =	swait.ge [sflag:s15], $0x8000  }
0x1f: {  	[sflag:s15] =	ssyncset.done $0x0  }
0x20: {  	[sflag:s15] =	ssyncadd.s32 $0xFFFF8000  }
0x21: {  	_ =	swait.ge [sflag:s16], $0x8000  }
0x22: {  	[sflag:s16] =	ssyncset.done $0x0  }
0x23: {  	s20 =	simm.s32 $0x0;
	[sflag:s16] =	ssyncadd.s32 $0xFFFF8000  }
0x24: {  	v16 =	vld [tilespmem:s20+$0x8410]  }
0x25: {  	v17 =	vld [tilespmem:s20+$0x400]  }
0x26: {  	v18 =	vld [tilespmem:s20+$0x410]  }
0x27: {  	v19 =	vld [tilespmem:s20+$0x8400]  }
0x28: {  	v20 =	vld [tilespmem:s20+$0x8420]  }
0x29: {  	v21 =	vld [tilespmem:s20+$0x420]  }
0x2a: {  	v22 =	vld [tilespmem:s20+$0x8430]  }
0x2b: {  	v23 =	vld [tilespmem:s20+$0x430]  }
0x2c: {  	v16 =	vmul.f32 v16, v18;
	v17 =	vmul.f32 v19, v17;
	_ =	sdelay $0x1  }
0x2d: {  	v16 =	vadd.f32 v16, v17;
	v17 =	vmul.f32 v20, v21;
	_ =	sdelay $0x1  }
0x2e: {  	v16 =	vadd.f32 v17, v16;
	v17 =	vmul.f32 v22, v23;
	_ =	sdelay $0x1  }
0x2f: {  	v16 =	vadd.f32 v17, v16;
	_ =	sdelay $0x1  }
0x30: {  	[tilespmem:$0x10400] =	vst v16  }
0x31: {  	v16 =	vld [tilespmem:s20+$0x440]  }
0x32: {  	v17 =	vld [tilespmem:s20+$0x8440]  }
0x33: {  	v18 =	vld [tilespmem:s20+$0x450]  }
0x34: {  	v19 =	vld [tilespmem:s20+$0x8450]  }
0x35: {  	v20 =	vld [tilespmem:s20+$0x8460]  }
0x36: {  	v21 =	vld [tilespmem:s20+$0x460]  }
0x37: {  	v22 =	vld [tilespmem:s20+$0x8470]  }
0x38: {  	v23 =	vld [tilespmem:s20+$0x470]  }
0x39: {  	v16 =	vmul.f32 v17, v16;
	v17 =	vmul.f32 v19, v18;
	_ =	sdelay $0x1  }
0x3a: {  	v16 =	vadd.f32 v17, v16;
	v17 =	vmul.f32 v20, v21;
	_ =	sdelay $0x1  }
0x3b: {  	v16 =	vadd.f32 v17, v16;
	v17 =	vmul.f32 v22, v23;
	_ =	sdelay $0x1  }
0x3c: {  	v16 =	vadd.f32 v17, v16;
	_ =	sdelay $0x1  }
0x3d: {  	[tilespmem:$0x10410] =	vst v16  }
0x3e: {  	v16 =	vld [tilespmem:s20+$0x8490]  }
0x3f: {  	v17 =	vld [tilespmem:s20+$0x480]  }
0x40: {  	v18 =	vld [tilespmem:s20+$0x8480]  }
0x41: {  	v19 =	vld [tilespmem:s20+$0x490]  }
0x42: {  	v20 =	vld [tilespmem:s20+$0x84A0]  }
0x43: {  	v21 =	vld [tilespmem:s20+$0x4A0]  }
0x44: {  	v22 =	vld [tilespmem:s20+$0x84B0]  }
0x45: {  	v23 =	vld [tilespmem:s20+$0x4B0]  }
0x46: {  	v17 =	vmul.f32 v18, v17;
	v16 =	vmul.f32 v16, v19;
	_ =	sdelay $0x1  }
0x47: {  	v16 =	vadd.f32 v16, v17;
	v17 =	vmul.f32 v20, v21;
	_ =	sdelay $0x1  }
0x48: {  	v16 =	vadd.f32 v17, v16;
	v17 =	vmul.f32 v22, v23;
	_ =	sdelay $0x1  }
0x49: {  	v16 =	vadd.f32 v17, v16;
	_ =	sdelay $0x1  }
0x4a: {  	[tilespmem:$0x10420] =	vst v16  }
0x4b: {  	v16 =	vld [tilespmem:s20+$0x84D0]  }
0x4c: {  	v17 =	vld [tilespmem:s20+$0x4C0]  }
0x4d: {  	v18 =	vld [tilespmem:s20+$0x84C0]  }
0x4e: {  	v19 =	vld [tilespmem:s20+$0x4D0]  }
0x4f: {  	v20 =	vld [tilespmem:s20+$0x4E0]  }
0x50: {  	v21 =	vld [tilespmem:s20+$0x84E0]  }
0x51: {  	v22 =	vld [tilespmem:s20+$0x84F0]  }
0x52: {  	v23 =	vld [tilespmem:s20+$0x4F0]  }
0x53: {  	v17 =	vmul.f32 v18, v17;
	v16 =	vmul.f32 v16, v19;
	_ =	sdelay $0x1  }
0x54: {  	v16 =	vadd.f32 v16, v17;
	v17 =	vmul.f32 v21, v20;
	_ =	sdelay $0x1  }
0x55: {  	v16 =	vadd.f32 v17, v16;
	v17 =	vmul.f32 v22, v23;
	_ =	sdelay $0x1  }
0x56: {  	v16 =	vadd.f32 v17, v16;
	_ =	sdelay $0x1  }
0x57: {  	[tilespmem:$0x10430] =	vst v16  }
0x58: {  	v16 =	vld [tilespmem:s20+$0x8500]  }
0x59: {  	v17 =	vld [tilespmem:s20+$0x8510]  }
0x5a: {  	v18 =	vld [tilespmem:s20+$0x500]  }
0x5b: {  	v19 =	vld [tilespmem:s20+$0x510]  }
0x5c: {  	v20 =	vld [tilespmem:s20+$0x520]  }
0x5d: {  	v21 =	vld [tilespmem:s20+$0x8520]  }
0x5e: {  	v22 =	vld [tilespmem:s20+$0x8530]  }
0x5f: {  	v23 =	vld [tilespmem:s20+$0x530]  }
0x60: {  	v16 =	vmul.f32 v16, v18;
	v17 =	vmul.f32 v17, v19;
	_ =	sdelay $0x1  }
0x61: {  	v16 =	vadd.f32 v17, v16;
	v17 =	vmul.f32 v21, v20;
	_ =	sdelay $0x1  }
0x62: {  	v16 =	vadd.f32 v17, v16;
	v17 =	vmul.f32 v22, v23;
	_ =	sdelay $0x1  }
0x63: {  	v16 =	vadd.f32 v17, v16;
	_ =	sdelay $0x1  }
0x64: {  	[tilespmem:$0x10440] =	vst v16  }
0x65: {  	v16 =	vld [tilespmem:s20+$0x8540]  }
0x66: {  	v17 =	vld [tilespmem:s20+$0x8550]  }
0x67: {  	v18 =	vld [tilespmem:s20+$0x540]  }
0x68: {  	v19 =	vld [tilespmem:s20+$0x550]  }
0x69: {  	v20 =	vld [tilespmem:s20+$0x560]  }
0x6a: {  	v21 =	vld [tilespmem:s20+$0x8560]  }
0x6b: {  	v22 =	vld [tilespmem:s20+$0x8570]  }
0x6c: {  	v23 =	vld [tilespmem:s20+$0x570]  }
0x6d: {  	v16 =	vmul.f32 v16, v18;
	v17 =	vmul.f32 v17, v19;
	_ =	sdelay $0x1  }
0x6e: {  	v16 =	vadd.f32 v17, v16;
	v17 =	vmul.f32 v21, v20;
	_ =	sdelay $0x1  }
0x6f: {  	v16 =	vadd.f32 v17, v16;
	v17 =	vmul.f32 v22, v23;
	_ =	sdelay $0x1  }
0x70: {  	v16 =	vadd.f32 v17, v16;
	_ =	sdelay $0x1  }
0x71: {  	[tilespmem:$0x10450] =	vst v16  }
0x72: {  	v16 =	vld [tilespmem:s20+$0x8580]  }
0x73: {  	v17 =	vld [tilespmem:s20+$0x8590]  }
0x74: {  	v18 =	vld [tilespmem:s20+$0x590]  }
0x75: {  	v19 =	vld [tilespmem:s20+$0x580]  }
0x76: {  	v20 =	vld [tilespmem:s20+$0x85A0]  }
0x77: {  	v21 =	vld [tilespmem:s20+$0x5A0]  }
0x78: {  	v22 =	vld [tilespmem:s20+$0x85B0]  }
0x79: {  	v23 =	vld [tilespmem:s20+$0x5B0]  }
0x7a: {  	v17 =	vmul.f32 v17, v18;
	v16 =	vmul.f32 v16, v19;
	_ =	sdelay $0x1  }
0x7b: {  	v16 =	vadd.f32 v17, v16;
	v17 =	vmul.f32 v20, v21;
	_ =	sdelay $0x1  }
0x7c: {  	v16 =	vadd.f32 v17, v16;
	v17 =	vmul.f32 v22, v23;
	_ =	sdelay $0x1  }
0x7d: {  	v16 =	vadd.f32 v17, v16;
	_ =	sdelay $0x1  }
0x7e: {  	[tilespmem:$0x10460] =	vst v16  }
0x7f: {  	v16 =	vld [tilespmem:s20+$0x5C0]  }
0x80: {  	v17 =	vld [tilespmem:s20+$0x85C0]  }
0x81: {  	v18 =	vld [tilespmem:s20+$0x85D0]  }
0x82: {  	v19 =	vld [tilespmem:s20+$0x5D0]  }
0x83: {  	v20 =	vld [tilespmem:s20+$0x85E0]  }
0x84: {  	v21 =	vld [tilespmem:s20+$0x5E0]  }
0x85: {  	v22 =	vld [tilespmem:s20+$0x85F0]  }
0x86: {  	v23 =	vld [tilespmem:s20+$0x5F0]  }
0x87: {  	v16 =	vmul.f32 v17, v16;
	v17 =	vmul.f32 v18, v19;
	_ =	sdelay $0x1  }
0x88: {  	v16 =	vadd.f32 v17, v16;
	v17 =	vmul.f32 v20, v21;
	_ =	sdelay $0x1  }
0x89: {  	v16 =	vadd.f32 v17, v16;
	v17 =	vmul.f32 v22, v23;
	_ =	sdelay $0x1  }
0x8a: {  	v16 =	vadd.f32 v17, v16;
	_ =	sdelay $0x1  }
0x8b: {  	[tilespmem:$0x10470] =	vst v16  }
0x8c: {  	v16 =	vld [tilespmem:s20+$0x8600]  }
0x8d: {  	v17 =	vld [tilespmem:s20+$0x8610]  }
0x8e: {  	v18 =	vld [tilespmem:s20+$0x600]  }
0x8f: {  	v19 =	vld [tilespmem:s20+$0x610]  }
0x90: {  	v20 =	vld [tilespmem:s20+$0x8620]  }
0x91: {  	v21 =	vld [tilespmem:s20+$0x620]  }
0x92: {  	v22 =	vld [tilespmem:s20+$0x8630]  }
0x93: {  	v23 =	vld [tilespmem:s20+$0x630]  }
0x94: {  	v16 =	vmul.f32 v16, v18;
	v17 =	vmul.f32 v17, v19;
	_ =	sdelay $0x1  }
0x95: {  	v16 =	vadd.f32 v17, v16;
	v17 =	vmul.f32 v20, v21;
	_ =	sdelay $0x1  }
0x96: {  	v16 =	vadd.f32 v17, v16;
	v17 =	vmul.f32 v22, v23;
	_ =	sdelay $0x1  }
0x97: {  	v16 =	vadd.f32 v17, v16;
	_ =	sdelay $0x1  }
0x98: {  	[tilespmem:$0x10480] =	vst v16  }
0x99: {  	v16 =	vld [tilespmem:s20+$0x8640]  }
0x9a: {  	v17 =	vld [tilespmem:s20+$0x8650]  }
0x9b: {  	v18 =	vld [tilespmem:s20+$0x650]  }
0x9c: {  	v19 =	vld [tilespmem:s20+$0x640]  }
0x9d: {  	v20 =	vld [tilespmem:s20+$0x660]  }
0x9e: {  	v21 =	vld [tilespmem:s20+$0x8660]  }
0x9f: {  	v22 =	vld [tilespmem:s20+$0x670]  }
0xa0: {  	v23 =	vld [tilespmem:s20+$0x8670]  }
0xa1: {  	v17 =	vmul.f32 v17, v18;
	v16 =	vmul.f32 v16, v19;
	_ =	sdelay $0x1  }
0xa2: {  	v16 =	vadd.f32 v17, v16;
	v17 =	vmul.f32 v21, v20;
	_ =	sdelay $0x1  }
0xa3: {  	v16 =	vadd.f32 v17, v16;
	v17 =	vmul.f32 v23, v22;
	_ =	sdelay $0x1  }
0xa4: {  	v16 =	vadd.f32 v17, v16;
	_ =	sdelay $0x1  }
0xa5: {  	[tilespmem:$0x10490] =	vst v16  }
0xa6: {  	v16 =	vld [tilespmem:s20+$0x8690]  }
0xa7: {  	v17 =	vld [tilespmem:s20+$0x8680]  }
0xa8: {  	v18 =	vld [tilespmem:s20+$0x680]  }
0xa9: {  	v19 =	vld [tilespmem:s20+$0x690]  }
0xaa: {  	v20 =	vld [tilespmem:s20+$0x6A0]  }
0xab: {  	v21 =	vld [tilespmem:s20+$0x86A0]  }
0xac: {  	v22 =	vld [tilespmem:s20+$0x6B0]  }
0xad: {  	v23 =	vld [tilespmem:s20+$0x86B0]  }
0xae: {  	v17 =	vmul.f32 v17, v18;
	v16 =	vmul.f32 v16, v19;
	_ =	sdelay $0x1  }
0xaf: {  	v16 =	vadd.f32 v16, v17;
	v17 =	vmul.f32 v21, v20;
	_ =	sdelay $0x1  }
0xb0: {  	v16 =	vadd.f32 v17, v16;
	v17 =	vmul.f32 v23, v22;
	_ =	sdelay $0x1  }
0xb1: {  	v16 =	vadd.f32 v17, v16;
	_ =	sdelay $0x1  }
0xb2: {  	[tilespmem:$0x104A0] =	vst v16  }
0xb3: {  	v16 =	vld [tilespmem:s20+$0x86C0]  }
0xb4: {  	v17 =	vld [tilespmem:s20+$0x86D0]  }
0xb5: {  	v18 =	vld [tilespmem:s20+$0x6C0]  }
0xb6: {  	v19 =	vld [tilespmem:s20+$0x6D0]  }
0xb7: {  	v20 =	vld [tilespmem:s20+$0x6E0]  }
0xb8: {  	v21 =	vld [tilespmem:s20+$0x86E0]  }
0xb9: {  	v22 =	vld [tilespmem:s20+$0x6F0]  }
0xba: {  	v23 =	vld [tilespmem:s20+$0x86F0]  }
0xbb: {  	v16 =	vmul.f32 v16, v18;
	v17 =	vmul.f32 v17, v19;
	_ =	sdelay $0x1  }
0xbc: {  	v16 =	vadd.f32 v17, v16;
	v17 =	vmul.f32 v21, v20;
	_ =	sdelay $0x1  }
0xbd: {  	v16 =	vadd.f32 v17, v16;
	v17 =	vmul.f32 v23, v22;
	_ =	sdelay $0x1  }
0xbe: {  	v16 =	vadd.f32 v17, v16;
	_ =	sdelay $0x1  }
0xbf: {  	[tilespmem:$0x104B0] =	vst v16  }
0xc0: {  	v16 =	vld [tilespmem:s20+$0x8700]  }
0xc1: {  	v17 =	vld [tilespmem:s20+$0x8710]  }
0xc2: {  	v18 =	vld [tilespmem:s20+$0x700]  }
0xc3: {  	v19 =	vld [tilespmem:s20+$0x710]  }
0xc4: {  	v20 =	vld [tilespmem:s20+$0x720]  }
0xc5: {  	v21 =	vld [tilespmem:s20+$0x8720]  }
0xc6: {  	v22 =	vld [tilespmem:s20+$0x730]  }
0xc7: {  	v23 =	vld [tilespmem:s20+$0x8730]  }
0xc8: {  	v16 =	vmul.f32 v16, v18;
	v17 =	vmul.f32 v17, v19;
	_ =	sdelay $0x1  }
0xc9: {  	v16 =	vadd.f32 v17, v16;
	v17 =	vmul.f32 v21, v20;
	_ =	sdelay $0x1  }
0xca: {  	v16 =	vadd.f32 v17, v16;
	v17 =	vmul.f32 v23, v22;
	_ =	sdelay $0x1  }
0xcb: {  	v16 =	vadd.f32 v17, v16;
	_ =	sdelay $0x1  }
0xcc: {  	[tilespmem:$0x104C0] =	vst v16  }
0xcd: {  	v16 =	vld [tilespmem:s20+$0x8740]  }
0xce: {  	v17 =	vld [tilespmem:s20+$0x8750]  }
0xcf: {  	v18 =	vld [tilespmem:s20+$0x740]  }
0xd0: {  	v19 =	vld [tilespmem:s20+$0x750]  }
0xd1: {  	v20 =	vld [tilespmem:s20+$0x760]  }
0xd2: {  	v21 =	vld [tilespmem:s20+$0x8760]  }
0xd3: {  	v22 =	vld [tilespmem:s20+$0x770]  }
0xd4: {  	v23 =	vld [tilespmem:s20+$0x8770]  }
0xd5: {  	v16 =	vmul.f32 v16, v18;
	v17 =	vmul.f32 v17, v19;
	_ =	sdelay $0x1  }
0xd6: {  	v16 =	vadd.f32 v17, v16;
	v17 =	vmul.f32 v21, v20;
	_ =	sdelay $0x1  }
0xd7: {  	v16 =	vadd.f32 v17, v16;
	v17 =	vmul.f32 v23, v22;
	_ =	sdelay $0x1  }
0xd8: {  	v16 =	vadd.f32 v17, v16;
	_ =	sdelay $0x1  }
0xd9: {  	[tilespmem:$0x104D0] =	vst v16  }
0xda: {  	v16 =	vld [tilespmem:s20+$0x8780]  }
0xdb: {  	v17 =	vld [tilespmem:s20+$0x8790]  }
0xdc: {  	v18 =	vld [tilespmem:s20+$0x790]  }
0xdd: {  	v19 =	vld [tilespmem:s20+$0x780]  }
0xde: {  	v20 =	vld [tilespmem:s20+$0x7A0]  }
0xdf: {  	v21 =	vld [tilespmem:s20+$0x87A0]  }
0xe0: {  	v22 =	vld [tilespmem:s20+$0x7B0]  }
0xe1: {  	v23 =	vld [tilespmem:s20+$0x87B0]  }
0xe2: {  	v17 =	vmul.f32 v17, v18;
	v16 =	vmul.f32 v16, v19;
	_ =	sdelay $0x1  }
0xe3: {  	v16 =	vadd.f32 v17, v16;
	v17 =	vmul.f32 v21, v20;
	_ =	sdelay $0x1  }
0xe4: {  	v16 =	vadd.f32 v17, v16;
	v17 =	vmul.f32 v23, v22;
	_ =	sdelay $0x1  }
0xe5: {  	v17 =	vadd.f32 v17, v16;
	_ =	sdelay $0x1  }
0xe6: {  	v16 =	vld [tilespmem:$0x10700];
	[tilespmem:$0x104E0] =	vst v17  }
0xe7: {  	v17 =	vld [tilespmem:s20+$0x7E0]  }
0xe8: {  	v18 =	vld [tilespmem:s20+$0x7C0]  }
0xe9: {  	v19 =	vld [tilespmem:s20+$0x87E0]  }
0xea: {  	v20 =	vld [tilespmem:s20+$0x87D0]  }
0xeb: {  	v23 =	vld [tilespmem:s20+$0x87C0]  }
0xec: {  	v22 =	vld [tilespmem:s20+$0x7D0]  }
0xed: {  	s22 =	simm.s32 $0x1000;
	s23 =	simm.s32 $0x10500;
	s21 =	simm.s32 $0x10500;
	v21 =	vld [tilespmem:s20+$0x7F0]  }
.LBB2_2:
0xee: {  	p0 =	sne.s32 s22, $0x1F000  }
0xef: {  	v24 =	vld [tilespmem:s20+$0x87F0];
	s23 =	sadd.s32 $0x10, s23;
	s20 =	smov.u32 s22;
	s22 =	sadd.s32 $0x1000, s22  }
0xf0: {  	_ = 	snop  }
0xf1: {  	v17 =	vmul.f32 v19, v17;
	v18 =	vmul.f32 v23, v18  }
0xf2: {  	v19 =	vmul.f32 v20, v22;
	_ =	sdelay $0x1  }
0xf3: {  	v18 =	vadd.f32 v19, v18;
	v19 =	vmul.f32 v24, v21;
	_ =	sdelay $0x1  }
0xf4: {  	v17 =	vadd.f32 v17, v18;
	_ =	sdelay $0x1  }
0xf5: {  	v17 =	vadd.f32 v19, v17;
	_ =	sdelay $0x1  }
0xf6: {  	[tilespmem:$0x104F0] =	vst v17  }
0xf7: {  	v17 =	vld.idx.msk [tilespmem:v0+s17+$0x0], $0xffff  }
0xf8: {  	v18 =	vld.idx.msk [tilespmem:v1+s17+$0x0], $0xffff  }
0xf9: {  	v19 =	vld.idx.msk [tilespmem:v2+s17+$0x0], $0xffff  }
0xfa: {  	v20 =	vld.idx.msk [tilespmem:v3+s17+$0x0], $0xffff  }
0xfb: {  	v21 =	vld.idx.msk [tilespmem:v4+s17+$0x0], $0xffff  }
0xfc: {  	v22 =	vld.idx.msk [tilespmem:v5+s17+$0x0], $0xffff  }
0xfd: {  	v17 =	vadd.f32 v17, v16;
	v23 =	vld.idx.msk [tilespmem:v6+s17+$0x0], $0xffff  }
0xfe: {  	v24 =	vld.idx.msk [tilespmem:v7+s17+$0x0], $0xffff  }
0xff: {  	v17 =	vadd.f32 v18, v17;
	v18 =	vld.idx.msk [tilespmem:v8+s17+$0x0], $0xffff  }
0x100: {  	v25 =	vld.idx.msk [tilespmem:v9+s17+$0x0], $0xffff  }
0x101: {  	v17 =	vadd.f32 v19, v17;
	v19 =	vld.idx.msk [tilespmem:v10+s17+$0x0], $0xffff  }
0x102: {  	v26 =	vld.idx.msk [tilespmem:v11+s17+$0x0], $0xffff  }
0x103: {  	v17 =	vadd.f32 v20, v17;
	v20 =	vld.idx.msk [tilespmem:v12+s17+$0x0], $0xffff  }
0x104: {  	v27 =	vld.idx.msk [tilespmem:v13+s17+$0x0], $0xffff  }
0x105: {  	v17 =	vadd.f32 v21, v17;
	v21 =	vld.idx.msk [tilespmem:v14+s17+$0x0], $0xffff  }
0x106: {  	v28 =	vld.idx.msk [tilespmem:v15+s17+$0x0], $0xffff  }
0x107: {  	v17 =	vadd.f32 v22, v17;
	_ =	sdelay $0x1  }
0x108: {  	v17 =	vadd.f32 v23, v17;
	_ =	sdelay $0x1  }
0x109: {  	v17 =	vadd.f32 v24, v17;
	_ =	sdelay $0x1  }
0x10a: {  	v17 =	vadd.f32 v18, v17;
	_ =	sdelay $0x1  }
0x10b: {  	v17 =	vadd.f32 v25, v17;
	_ =	sdelay $0x1  }
0x10c: {  	v17 =	vadd.f32 v19, v17;
	_ =	sdelay $0x1  }
0x10d: {  	v17 =	vadd.f32 v26, v17;
	_ =	sdelay $0x1  }
0x10e: {  	v17 =	vadd.f32 v20, v17;
	_ =	sdelay $0x1  }
0x10f: {  	v17 =	vadd.f32 v27, v17;
	_ =	sdelay $0x1  }
0x110: {  	v17 =	vadd.f32 v21, v17;
	_ =	sdelay $0x1  }
0x111: {  	v17 =	vadd.f32 v28, v17;
	_ =	sdelay $0x1  }
0x112: {  	s20 =	sshra.s32 s20, $0x2;
	[tilespmem:s21+$0x0] =	vst v17;
	s21 =	smov.u32 s23  }
0x113: {  	v17 =	vld [tilespmem:s20+$0x8410]  }
0x114: {  	v18 =	vld [tilespmem:s20+$0x400]  }
0x115: {  	v19 =	vld [tilespmem:s20+$0x410]  }
0x116: {  	v20 =	vld [tilespmem:s20+$0x8400]  }
0x117: {  	v21 =	vld [tilespmem:s20+$0x8420]  }
0x118: {  	v22 =	vld [tilespmem:s20+$0x420]  }
0x119: {  	v23 =	vld [tilespmem:s20+$0x8430]  }
0x11a: {  	v17 =	vmul.f32 v17, v19;
	v19 =	vld [tilespmem:s20+$0x430]  }
0x11b: {  	v18 =	vmul.f32 v20, v18;
	_ =	sdelay $0x1  }
0x11c: {  	v17 =	vadd.f32 v17, v18;
	v18 =	vmul.f32 v21, v22;
	_ =	sdelay $0x1  }
0x11d: {  	v17 =	vadd.f32 v18, v17;
	v18 =	vmul.f32 v23, v19;
	_ =	sdelay $0x1  }
0x11e: {  	v17 =	vadd.f32 v18, v17;
	_ =	sdelay $0x1  }
0x11f: {  	[tilespmem:$0x10400] =	vst v17  }
0x120: {  	v17 =	vld [tilespmem:s20+$0x440]  }
0x121: {  	v18 =	vld [tilespmem:s20+$0x8440]  }
0x122: {  	v19 =	vld [tilespmem:s20+$0x450]  }
0x123: {  	v20 =	vld [tilespmem:s20+$0x8450]  }
0x124: {  	v21 =	vld [tilespmem:s20+$0x8460]  }
0x125: {  	v22 =	vld [tilespmem:s20+$0x460]  }
0x126: {  	v17 =	vmul.f32 v18, v17;
	v18 =	vld [tilespmem:s20+$0x8470]  }
0x127: {  	v23 =	vld [tilespmem:s20+$0x470]  }
0x128: {  	v19 =	vmul.f32 v20, v19;
	_ =	sdelay $0x1  }
0x129: {  	v17 =	vadd.f32 v19, v17;
	v19 =	vmul.f32 v21, v22;
	_ =	sdelay $0x1  }
0x12a: {  	v17 =	vadd.f32 v19, v17;
	v18 =	vmul.f32 v18, v23;
	_ =	sdelay $0x1  }
0x12b: {  	v17 =	vadd.f32 v18, v17;
	_ =	sdelay $0x1  }
0x12c: {  	[tilespmem:$0x10410] =	vst v17  }
0x12d: {  	v17 =	vld [tilespmem:s20+$0x8490]  }
0x12e: {  	v18 =	vld [tilespmem:s20+$0x480]  }
0x12f: {  	v19 =	vld [tilespmem:s20+$0x8480]  }
0x130: {  	v20 =	vld [tilespmem:s20+$0x490]  }
0x131: {  	v21 =	vld [tilespmem:s20+$0x84A0]  }
0x132: {  	v22 =	vld [tilespmem:s20+$0x4A0]  }
0x133: {  	v23 =	vld [tilespmem:s20+$0x84B0]  }
0x134: {  	v18 =	vmul.f32 v19, v18;
	v19 =	vld [tilespmem:s20+$0x4B0]  }
0x135: {  	v17 =	vmul.f32 v17, v20;
	_ =	sdelay $0x1  }
0x136: {  	v17 =	vadd.f32 v17, v18;
	v18 =	vmul.f32 v21, v22;
	_ =	sdelay $0x1  }
0x137: {  	v17 =	vadd.f32 v18, v17;
	v18 =	vmul.f32 v23, v19;
	_ =	sdelay $0x1  }
0x138: {  	v17 =	vadd.f32 v18, v17;
	_ =	sdelay $0x1  }
0x139: {  	[tilespmem:$0x10420] =	vst v17  }
0x13a: {  	v17 =	vld [tilespmem:s20+$0x84D0]  }
0x13b: {  	v18 =	vld [tilespmem:s20+$0x4C0]  }
0x13c: {  	v19 =	vld [tilespmem:s20+$0x84C0]  }
0x13d: {  	v20 =	vld [tilespmem:s20+$0x4D0]  }
0x13e: {  	v21 =	vld [tilespmem:s20+$0x4E0]  }
0x13f: {  	v22 =	vld [tilespmem:s20+$0x84E0]  }
0x140: {  	v23 =	vld [tilespmem:s20+$0x84F0]  }
0x141: {  	v18 =	vmul.f32 v19, v18;
	v19 =	vld [tilespmem:s20+$0x4F0]  }
0x142: {  	v17 =	vmul.f32 v17, v20;
	_ =	sdelay $0x1  }
0x143: {  	v17 =	vadd.f32 v17, v18;
	v18 =	vmul.f32 v22, v21;
	_ =	sdelay $0x1  }
0x144: {  	v17 =	vadd.f32 v18, v17;
	v18 =	vmul.f32 v23, v19;
	_ =	sdelay $0x1  }
0x145: {  	v17 =	vadd.f32 v18, v17;
	_ =	sdelay $0x1  }
0x146: {  	[tilespmem:$0x10430] =	vst v17  }
0x147: {  	v17 =	vld [tilespmem:s20+$0x8500]  }
0x148: {  	v18 =	vld [tilespmem:s20+$0x8510]  }
0x149: {  	v19 =	vld [tilespmem:s20+$0x500]  }
0x14a: {  	v20 =	vld [tilespmem:s20+$0x510]  }
0x14b: {  	v21 =	vld [tilespmem:s20+$0x520]  }
0x14c: {  	v22 =	vld [tilespmem:s20+$0x8520]  }
0x14d: {  	v23 =	vld [tilespmem:s20+$0x8530]  }
0x14e: {  	v17 =	vmul.f32 v17, v19;
	v19 =	vld [tilespmem:s20+$0x530]  }
0x14f: {  	v18 =	vmul.f32 v18, v20;
	_ =	sdelay $0x1  }
0x150: {  	v17 =	vadd.f32 v18, v17;
	v18 =	vmul.f32 v22, v21;
	_ =	sdelay $0x1  }
0x151: {  	v17 =	vadd.f32 v18, v17;
	v18 =	vmul.f32 v23, v19;
	_ =	sdelay $0x1  }
0x152: {  	v17 =	vadd.f32 v18, v17;
	_ =	sdelay $0x1  }
0x153: {  	[tilespmem:$0x10440] =	vst v17  }
0x154: {  	v17 =	vld [tilespmem:s20+$0x8540]  }
0x155: {  	v18 =	vld [tilespmem:s20+$0x8550]  }
0x156: {  	v19 =	vld [tilespmem:s20+$0x540]  }
0x157: {  	v20 =	vld [tilespmem:s20+$0x550]  }
0x158: {  	v21 =	vld [tilespmem:s20+$0x560]  }
0x159: {  	v22 =	vld [tilespmem:s20+$0x8560]  }
0x15a: {  	v23 =	vld [tilespmem:s20+$0x8570]  }
0x15b: {  	v17 =	vmul.f32 v17, v19;
	v19 =	vld [tilespmem:s20+$0x570]  }
0x15c: {  	v18 =	vmul.f32 v18, v20;
	_ =	sdelay $0x1  }
0x15d: {  	v17 =	vadd.f32 v18, v17;
	v18 =	vmul.f32 v22, v21;
	_ =	sdelay $0x1  }
0x15e: {  	v17 =	vadd.f32 v18, v17;
	v18 =	vmul.f32 v23, v19;
	_ =	sdelay $0x1  }
0x15f: {  	v17 =	vadd.f32 v18, v17;
	_ =	sdelay $0x1  }
0x160: {  	[tilespmem:$0x10450] =	vst v17  }
0x161: {  	v17 =	vld [tilespmem:s20+$0x8580]  }
0x162: {  	v18 =	vld [tilespmem:s20+$0x8590]  }
0x163: {  	v19 =	vld [tilespmem:s20+$0x590]  }
0x164: {  	v20 =	vld [tilespmem:s20+$0x580]  }
0x165: {  	v21 =	vld [tilespmem:s20+$0x85A0]  }
0x166: {  	v22 =	vld [tilespmem:s20+$0x5A0]  }
0x167: {  	v23 =	vld [tilespmem:s20+$0x85B0]  }
0x168: {  	v18 =	vmul.f32 v18, v19;
	v19 =	vld [tilespmem:s20+$0x5B0]  }
0x169: {  	v17 =	vmul.f32 v17, v20;
	_ =	sdelay $0x1  }
0x16a: {  	v17 =	vadd.f32 v18, v17;
	v18 =	vmul.f32 v21, v22;
	_ =	sdelay $0x1  }
0x16b: {  	v17 =	vadd.f32 v18, v17;
	v18 =	vmul.f32 v23, v19;
	_ =	sdelay $0x1  }
0x16c: {  	v17 =	vadd.f32 v18, v17;
	_ =	sdelay $0x1  }
0x16d: {  	[tilespmem:$0x10460] =	vst v17  }
0x16e: {  	v17 =	vld [tilespmem:s20+$0x5C0]  }
0x16f: {  	v18 =	vld [tilespmem:s20+$0x85C0]  }
0x170: {  	v19 =	vld [tilespmem:s20+$0x85D0]  }
0x171: {  	v20 =	vld [tilespmem:s20+$0x5D0]  }
0x172: {  	v21 =	vld [tilespmem:s20+$0x85E0]  }
0x173: {  	v22 =	vld [tilespmem:s20+$0x5E0]  }
0x174: {  	v17 =	vmul.f32 v18, v17;
	v18 =	vld [tilespmem:s20+$0x85F0]  }
0x175: {  	v23 =	vld [tilespmem:s20+$0x5F0]  }
0x176: {  	v19 =	vmul.f32 v19, v20;
	_ =	sdelay $0x1  }
0x177: {  	v17 =	vadd.f32 v19, v17;
	v19 =	vmul.f32 v21, v22;
	_ =	sdelay $0x1  }
0x178: {  	v17 =	vadd.f32 v19, v17;
	v18 =	vmul.f32 v18, v23;
	_ =	sdelay $0x1  }
0x179: {  	v17 =	vadd.f32 v18, v17;
	_ =	sdelay $0x1  }
0x17a: {  	[tilespmem:$0x10470] =	vst v17  }
0x17b: {  	v17 =	vld [tilespmem:s20+$0x8600]  }
0x17c: {  	v18 =	vld [tilespmem:s20+$0x8610]  }
0x17d: {  	v19 =	vld [tilespmem:s20+$0x600]  }
0x17e: {  	v20 =	vld [tilespmem:s20+$0x610]  }
0x17f: {  	v21 =	vld [tilespmem:s20+$0x8620]  }
0x180: {  	v22 =	vld [tilespmem:s20+$0x620]  }
0x181: {  	v23 =	vld [tilespmem:s20+$0x8630]  }
0x182: {  	v17 =	vmul.f32 v17, v19;
	v19 =	vld [tilespmem:s20+$0x630]  }
0x183: {  	v18 =	vmul.f32 v18, v20;
	_ =	sdelay $0x1  }
0x184: {  	v17 =	vadd.f32 v18, v17;
	v18 =	vmul.f32 v21, v22;
	_ =	sdelay $0x1  }
0x185: {  	v17 =	vadd.f32 v18, v17;
	v18 =	vmul.f32 v23, v19;
	_ =	sdelay $0x1  }
0x186: {  	v17 =	vadd.f32 v18, v17;
	_ =	sdelay $0x1  }
0x187: {  	[tilespmem:$0x10480] =	vst v17  }
0x188: {  	v17 =	vld [tilespmem:s20+$0x8640]  }
0x189: {  	v18 =	vld [tilespmem:s20+$0x8650]  }
0x18a: {  	v19 =	vld [tilespmem:s20+$0x650]  }
0x18b: {  	v20 =	vld [tilespmem:s20+$0x640]  }
0x18c: {  	v21 =	vld [tilespmem:s20+$0x660]  }
0x18d: {  	v22 =	vld [tilespmem:s20+$0x8660]  }
0x18e: {  	v23 =	vld [tilespmem:s20+$0x670]  }
0x18f: {  	v18 =	vmul.f32 v18, v19;
	v19 =	vld [tilespmem:s20+$0x8670]  }
0x190: {  	v17 =	vmul.f32 v17, v20;
	_ =	sdelay $0x1  }
0x191: {  	v17 =	vadd.f32 v18, v17;
	v18 =	vmul.f32 v22, v21;
	_ =	sdelay $0x1  }
0x192: {  	v17 =	vadd.f32 v18, v17;
	v18 =	vmul.f32 v19, v23;
	_ =	sdelay $0x1  }
0x193: {  	v17 =	vadd.f32 v18, v17;
	_ =	sdelay $0x1  }
0x194: {  	[tilespmem:$0x10490] =	vst v17  }
0x195: {  	v17 =	vld [tilespmem:s20+$0x8690]  }
0x196: {  	v18 =	vld [tilespmem:s20+$0x8680]  }
0x197: {  	v19 =	vld [tilespmem:s20+$0x680]  }
0x198: {  	v20 =	vld [tilespmem:s20+$0x690]  }
0x199: {  	v21 =	vld [tilespmem:s20+$0x6A0]  }
0x19a: {  	v22 =	vld [tilespmem:s20+$0x86A0]  }
0x19b: {  	v23 =	vld [tilespmem:s20+$0x6B0]  }
0x19c: {  	v18 =	vmul.f32 v18, v19;
	v19 =	vld [tilespmem:s20+$0x86B0]  }
0x19d: {  	v17 =	vmul.f32 v17, v20;
	_ =	sdelay $0x1  }
0x19e: {  	v17 =	vadd.f32 v17, v18;
	v18 =	vmul.f32 v22, v21;
	_ =	sdelay $0x1  }
0x19f: {  	v17 =	vadd.f32 v18, v17;
	v18 =	vmul.f32 v19, v23;
	_ =	sdelay $0x1  }
0x1a0: {  	v17 =	vadd.f32 v18, v17;
	_ =	sdelay $0x1  }
0x1a1: {  	[tilespmem:$0x104A0] =	vst v17  }
0x1a2: {  	v17 =	vld [tilespmem:s20+$0x86C0]  }
0x1a3: {  	v18 =	vld [tilespmem:s20+$0x86D0]  }
0x1a4: {  	v19 =	vld [tilespmem:s20+$0x6C0]  }
0x1a5: {  	v20 =	vld [tilespmem:s20+$0x6D0]  }
0x1a6: {  	v21 =	vld [tilespmem:s20+$0x6E0]  }
0x1a7: {  	v22 =	vld [tilespmem:s20+$0x86E0]  }
0x1a8: {  	v23 =	vld [tilespmem:s20+$0x6F0]  }
0x1a9: {  	v17 =	vmul.f32 v17, v19;
	v19 =	vld [tilespmem:s20+$0x86F0]  }
0x1aa: {  	v18 =	vmul.f32 v18, v20;
	_ =	sdelay $0x1  }
0x1ab: {  	v17 =	vadd.f32 v18, v17;
	v18 =	vmul.f32 v22, v21;
	_ =	sdelay $0x1  }
0x1ac: {  	v17 =	vadd.f32 v18, v17;
	v18 =	vmul.f32 v19, v23;
	_ =	sdelay $0x1  }
0x1ad: {  	v17 =	vadd.f32 v18, v17;
	_ =	sdelay $0x1  }
0x1ae: {  	[tilespmem:$0x104B0] =	vst v17  }
0x1af: {  	v17 =	vld [tilespmem:s20+$0x8700]  }
0x1b0: {  	v18 =	vld [tilespmem:s20+$0x8710]  }
0x1b1: {  	v19 =	vld [tilespmem:s20+$0x700]  }
0x1b2: {  	v20 =	vld [tilespmem:s20+$0x710]  }
0x1b3: {  	v21 =	vld [tilespmem:s20+$0x720]  }
0x1b4: {  	v22 =	vld [tilespmem:s20+$0x8720]  }
0x1b5: {  	v23 =	vld [tilespmem:s20+$0x730]  }
0x1b6: {  	v17 =	vmul.f32 v17, v19;
	v19 =	vld [tilespmem:s20+$0x8730]  }
0x1b7: {  	v18 =	vmul.f32 v18, v20;
	_ =	sdelay $0x1  }
0x1b8: {  	v17 =	vadd.f32 v18, v17;
	v18 =	vmul.f32 v22, v21;
	_ =	sdelay $0x1  }
0x1b9: {  	v17 =	vadd.f32 v18, v17;
	v18 =	vmul.f32 v19, v23;
	_ =	sdelay $0x1  }
0x1ba: {  	v17 =	vadd.f32 v18, v17;
	_ =	sdelay $0x1  }
0x1bb: {  	[tilespmem:$0x104C0] =	vst v17  }
0x1bc: {  	v17 =	vld [tilespmem:s20+$0x8740]  }
0x1bd: {  	v18 =	vld [tilespmem:s20+$0x8750]  }
0x1be: {  	v19 =	vld [tilespmem:s20+$0x740]  }
0x1bf: {  	v20 =	vld [tilespmem:s20+$0x750]  }
0x1c0: {  	v21 =	vld [tilespmem:s20+$0x760]  }
0x1c1: {  	v22 =	vld [tilespmem:s20+$0x8760]  }
0x1c2: {  	v23 =	vld [tilespmem:s20+$0x770]  }
0x1c3: {  	v17 =	vmul.f32 v17, v19;
	v19 =	vld [tilespmem:s20+$0x8770]  }
0x1c4: {  	v18 =	vmul.f32 v18, v20;
	_ =	sdelay $0x1  }
0x1c5: {  	v17 =	vadd.f32 v18, v17;
	v18 =	vmul.f32 v22, v21;
	_ =	sdelay $0x1  }
0x1c6: {  	v17 =	vadd.f32 v18, v17;
	v18 =	vmul.f32 v19, v23;
	_ =	sdelay $0x1  }
0x1c7: {  	v17 =	vadd.f32 v18, v17;
	_ =	sdelay $0x1  }
0x1c8: {  	[tilespmem:$0x104D0] =	vst v17  }
0x1c9: {  	v17 =	vld [tilespmem:s20+$0x8780]  }
0x1ca: {  	v18 =	vld [tilespmem:s20+$0x8790]  }
0x1cb: {  	v19 =	vld [tilespmem:s20+$0x790]  }
0x1cc: {  	v20 =	vld [tilespmem:s20+$0x780]  }
0x1cd: {  	v21 =	vld [tilespmem:s20+$0x7A0]  }
0x1ce: {  	v22 =	vld [tilespmem:s20+$0x87A0]  }
0x1cf: {  	v23 =	vld [tilespmem:s20+$0x7B0]  }
0x1d0: {  	v18 =	vmul.f32 v18, v19;
	v19 =	vld [tilespmem:s20+$0x87B0]  }
0x1d1: {  	v17 =	vmul.f32 v17, v20;
	_ =	sdelay $0x1  }
0x1d2: {  	v17 =	vadd.f32 v18, v17;
	v18 =	vmul.f32 v22, v21;
	_ =	sdelay $0x1  }
0x1d3: {  	v17 =	vadd.f32 v18, v17;
	v18 =	vmul.f32 v19, v23;
	_ =	sdelay $0x1  }
0x1d4: {  	v17 =	vadd.f32 v18, v17;
	_ =	sdelay $0x1  }
0x1d5: {  	[tilespmem:$0x104E0] =	vst v17  }
0x1d6: {  	v17 =	vld [tilespmem:s20+$0x7E0]  }
0x1d7: {  	v18 =	vld [tilespmem:s20+$0x7C0]  }
.Ltmp0:
0x1d8: {  	v19 =	vld [tilespmem:s20+$0x87E0];
	(pc) =	sbr.rel @p0 .LBB2_2-.Ltmp0, $4  }
0x1d9: {  	v20 =	vld [tilespmem:s20+$0x87D0]  }
0x1da: {  	v23 =	vld [tilespmem:s20+$0x87C0]  }
0x1db: {  	v22 =	vld [tilespmem:s20+$0x7D0]  }
0x1dc: {  	v21 =	vld [tilespmem:s20+$0x7F0]  }
0x1dd: {  	_ =	sdelay $0x1  }
0x1de: {  	v24 =	vld [tilespmem:s20+$0x87F0]  }
0x1df: {  	v18 =	vmul.f32 v23, v18;
	v20 =	vmul.f32 v20, v22;
	_ =	sdelay $0x1  }
0x1e0: {  	v17 =	vmul.f32 v19, v17;
	v18 =	vadd.f32 v20, v18;
	_ =	sdelay $0x1  }
0x1e1: {  	v53 =	vmul.f32 v24, v21;
	v17 =	vadd.f32 v17, v18;
	_ =	sdelay $0x1  }
0x1e2: {  	v17 =	vadd.f32 v53, v17;
	_ =	sdelay $0x1  }
0x1e3: {  	[tilespmem:$0x104F0] =	vst v17  }
0x1e4: {  	v17 =	vld.idx.msk [tilespmem:v0+s17+$0x0], $0xffff;
	_ =	sdelay $0x1  }
0x1e5: {  	v54 =	vld.idx.msk [tilespmem:v1+s17+$0x0], $0xffff;
	_ =	sdelay $0x1  }
0x1e6: {  	v55 =	vld.idx.msk [tilespmem:v2+s17+$0x0], $0xffff  }
0x1e7: {  	v16 =	vadd.f32 v17, v16  }
0x1e8: {  	v17 =	vld.idx.msk [tilespmem:v3+s17+$0x0], $0xffff  }
0x1e9: {  	v16 =	vadd.f32 v54, v16  }
0x1ea: {  	v56 =	vld.idx.msk [tilespmem:v4+s17+$0x0], $0xffff  }
0x1eb: {  	v16 =	vadd.f32 v55, v16  }
0x1ec: {  	v57 =	vld.idx.msk [tilespmem:v5+s17+$0x0], $0xffff  }
0x1ed: {  	v16 =	vadd.f32 v17, v16  }
0x1ee: {  	v17 =	vld.idx.msk [tilespmem:v6+s17+$0x0], $0xffff  }
0x1ef: {  	v16 =	vadd.f32 v56, v16  }
0x1f0: {  	v58 =	vld.idx.msk [tilespmem:v7+s17+$0x0], $0xffff  }
0x1f1: {  	v16 =	vadd.f32 v57, v16  }
0x1f2: {  	v59 =	vld.idx.msk [tilespmem:v8+s17+$0x0], $0xffff  }
0x1f3: {  	v16 =	vadd.f32 v17, v16  }
0x1f4: {  	v17 =	vld.idx.msk [tilespmem:v9+s17+$0x0], $0xffff  }
0x1f5: {  	v16 =	vadd.f32 v58, v16  }
0x1f6: {  	v60 =	vld.idx.msk [tilespmem:v10+s17+$0x0], $0xffff  }
0x1f7: {  	v16 =	vadd.f32 v59, v16  }
0x1f8: {  	v61 =	vld.idx.msk [tilespmem:v11+s17+$0x0], $0xffff  }
0x1f9: {  	v16 =	vadd.f32 v17, v16  }
0x1fa: {  	v17 =	vld.idx.msk [tilespmem:v12+s17+$0x0], $0xffff  }
0x1fb: {  	v16 =	vadd.f32 v60, v16  }
0x1fc: {  	v62 =	vld.idx.msk [tilespmem:v13+s17+$0x0], $0xffff  }
0x1fd: {  	v16 =	vadd.f32 v61, v16  }
0x1fe: {  	v63 =	vld.idx.msk [tilespmem:v14+s17+$0x0], $0xffff  }
0x1ff: {  	v16 =	vadd.f32 v17, v16  }
0x200: {  	v17 =	vld.idx.msk [tilespmem:v15+s17+$0x0], $0xffff  }
0x201: {  	v16 =	vadd.f32 v62, v16;
	_ =	sdelay $0x1  }
0x202: {  	v16 =	vadd.f32 v63, v16;
	_ =	sdelay $0x1  }
0x203: {  	s19 =	sadd.s32 $0x1, s19;
	v16 =	vadd.f32 v17, v16  }
0x204: {  	p0 =	sne.s32 s19, s9  }
.Ltmp1:
0x205: {  	[tilespmem:s21+$0x0] =	vst v16;
	(pc) =	sbr.rel @p0 .LBB2_1-.Ltmp1, $4  }
0x206: {  	[hbm4b:s8+s1] =	stream.linear.scatter [tilespmem:s18], [sflag:$0x3], $0x200, $0x38;
	[tilespmem:$0x10710] =	vst v63  }
0x207: {  	_ =	swait.ge [sflag:s10], $0x200  }
0x208: {  	[sflag:s10] =	ssyncset.done $0x0  }
0x209: {  	[sflag:s10] =	ssyncadd.s32 $0xFFFFFE00  }
0x20a: {  	_ =	sfence.sel $0x180000  }
0x20b: {  	[bflag:$0x0] =	sbarrier.arrive $0xFFFF  }
0x20c: {  	p0 =	sne.s32 s2, $0x0;
	_ =	strace $0x90000047  }
0x20d: {  	s0 =	sadd.s32 @!p0 $0x100000, s0;
	[bflag:$0x2] =	sbarrier.arrive $0xFFFF  }
0x20e: {  	[sflag:s0] =	ssyncadd.tile.s32 @!p0 $0x1;
	_ =	shalt  }
.Lfunc_end2:
_tile_overlayer_lowered:
.L_overlay_start_2:
0x20f: {  	(tag) =	ssettag $0x2  }
0x210: {  	s0 =	rddreg [dreg:$0x0];
	s2 =	stileid.u32  }
0x211: {  	s1 =	rddreg [dreg:$0x1];
	p0 =	sne.s32 s2, $0x0  }
0x212: {  	s3 =	rddreg [dreg:$0x2];
	[bflag:$0x3] =	sbarrier.arrive $0xFFFF;
	s2 =	simm.s32 @!p0 $0x1C03  }
0x213: {  	[timem:s3], [sflag:s2] =	dma.local @!p0 [hbm:s0], s1  }
0x214: {  	s0 =	simm.s32 @!p0 $0x3  }
0x215: {  	_ =	swait.ge @!p0 [sflag:s0], s1  }
0x216: {  	s1 =	ssub.s32 @!p0 $0x0, s1;
	[sflag:s0] =	ssyncset.done @!p0 $0x0  }
0x217: {  	[sflag:s0] =	ssyncadd.s32 @!p0 s1  }
0x218: {  	[bflag:$0x3] =	sbarrier.arrive $0xFFFF  }
0x219: {  	_ =	shalt  }

</sc_bundles>
